<compile_context>
chip_gen: v7x
topology: tpu7x:2x2x1
jax: 0.10.2.dev20260603
libtpu: 0.0.44.dev20260713+nightly
codegen_flags: <defaults>
</compile_context>

<pallas_src>
import functools

import jax
import jax.numpy as jnp
from jax import lax
from jax.experimental import pallas as pl
from jax.experimental.pallas import tpu as pltpu
from jax.experimental.pallas import tpu_sc as plsc

_V = 1000000
_B = 4096
_S = 200
_DIM = 64
_PDIM = 128
_NFLAT = _B * _S
_NW = 32
_CH = 128
_NCH_TOTAL = _NFLAT // _CH
_NCH_PER_W = _NCH_TOTAL // _NW
_TOK_PER_W = _NCH_PER_W * _CH
_K = 4
_NSC = _NCH_PER_W // _K

_mesh = plsc.VectorSubcoreMesh(core_axis_name="c", subcore_axis_name="s")


@functools.partial(
    pl.kernel,
    mesh=_mesh,
    out_type=jax.ShapeDtypeStruct((_NCH_TOTAL, _CH, _PDIM), jnp.float32),
    scratch_types=[
        pltpu.VMEM((_TOK_PER_W,), jnp.int32),
        pltpu.VMEM((_K, _CH, _DIM), jnp.float32),
        pltpu.VMEM((_K, _CH, _DIM), jnp.float32),
        pltpu.SemaphoreType.DMA,
        pltpu.SemaphoreType.DMA,
        pltpu.SemaphoreType.DMA,
        pltpu.SemaphoreType.DMA,
    ],
    compiler_params=pltpu.CompilerParams(use_tc_tiling_on_sc=False),
)
def _emb_lookup(idx_hbm, table_hbm, out_hbm, idx_v, rows0, rows1,
                gsem0, gsem1, osem0, osem1):
    nc = plsc.get_sparse_core_info().num_cores
    wid = lax.axis_index("s") * nc + lax.axis_index("c")
    base = wid * _NCH_PER_W
    rows = (rows0, rows1)
    gsem = (gsem0, gsem1)
    osem = (osem0, osem1)

    pltpu.sync_copy(idx_hbm.at[pl.ds(wid * _TOK_PER_W, _TOK_PER_W)], idx_v)

    def fire(i, b):
        for j in range(_K):
            pltpu.make_async_copy(
                table_hbm.at[idx_v.at[pl.ds((i * _K + j) * _CH, _CH)]],
                rows[b].at[j],
                gsem[b],
            ).start()

    def wait_gathers(i, b):
        for j in range(_K):
            pltpu.make_async_copy(
                table_hbm.at[idx_v.at[pl.ds((i * _K + j) * _CH, _CH)]],
                rows[b].at[j],
                gsem[b],
            ).wait()

    def start_out(i, b):
        pltpu.make_async_copy(
            rows[b],
            out_hbm.at[pl.ds(base + i * _K, _K), :, pl.ds(0, _DIM)],
            osem[b],
        ).start()

    def wait_out(i, b):
        pltpu.make_async_copy(
            rows[b],
            out_hbm.at[pl.ds(base + i * _K, _K), :, pl.ds(0, _DIM)],
            osem[b],
        ).wait()

    fire(0, 0)
    fire(1, 1)
    wait_gathers(0, 0)
    start_out(0, 0)

    def body(u, carry):
        for b in range(2):
            i = 2 + 2 * u + b
            wait_out(i - 2, b)
            fire(i, b)
            wait_gathers(i - 1, 1 - b)
            start_out(i - 1, 1 - b)
        return carry

    lax.fori_loop(0, (_NSC - 2) // 2, body, 0)

    last = (_NSC - 1) % 2
    wait_gathers(_NSC - 1, last)
    start_out(_NSC - 1, last)
    wait_out(_NSC - 2, 1 - last)
    wait_out(_NSC - 1, last)


def kernel(token_idx_list, embedding):
    idx = token_idx_list.astype(jnp.int32).reshape(_NFLAT)
    table = lax.optimization_barrier(
        embedding.reshape(_V // 2, 2 * _DIM)
    ).reshape(_V, _DIM)
    out = _emb_lookup(idx, table)
    return out.reshape(_NFLAT, _PDIM)[:, :_DIM].reshape(_B, _S, _DIM)

# --- scband reference (transcript-rebuilt; emitter-appended) ---
"""Pipeline reference for scband-embedding-21990232555847 (READ-ONLY COPY).

The authoritative reference and input builder live on the scoring server;
editing this copy changes nothing except your own understanding.
"""

import jax, jax.numpy as jnp
import numpy as np

VOCAB = 1000000
DIM = 64
B = 4096
S = 200

def setup_inputs(seed: int = 0) -> dict:
    key = jax.random.key(seed)
    k_idx, k_emb = jax.random.split(key)
    token_idx_list = jax.random.randint(k_idx, (B, S), 0, VOCAB, dtype=jnp.int64) if jax.config.jax_enable_x64 else jax.random.randint(k_idx, (B, S), 0, VOCAB, dtype=jnp.int32)
    # nn.initializers.normal() default stddev=0.01
    embedding = jax.random.normal(k_emb, (VOCAB, DIM), dtype=jnp.float32) * 0.01
    return {"token_idx_list": token_idx_list, "embedding": embedding}

def reference(token_idx_list, embedding):
    # embed[token_idx_list] -> gather rows of the embedding table
    return jnp.take(embedding, token_idx_list, axis=0)

if __name__ == "__main__":
    import jax
    _d = setup_inputs()
    print(jax.jit(kernel)(*tuple(_d.values())))

</pallas_src>

<mosaic_0001>
#map = affine_map<(d0, d1) -> (0)>
#map1 = affine_map<(d0, d1) -> (0, 0)>
#map2 = affine_map<(d0, d1) -> (0, 0, 0)>
module attributes {stable_mosaic.version = 14 : i64} {
  func.func @_emb_lookup(%arg0: i32, %arg1: i32, %arg2: memref<819200xi32, #tpu.memory_space<hbm>>, %arg3: memref<1000000x64xf32, #tpu.memory_space<hbm>>, %arg4: memref<6400x128x128xf32, #tpu.memory_space<hbm>>, %arg5: memref<25600xi32, #tpu.memory_space<vmem>>, %arg6: memref<4x128x64xf32, #tpu.memory_space<vmem>>, %arg7: memref<4x128x64xf32, #tpu.memory_space<vmem>>, %arg8: memref<!tpu.dma_semaphore, #tpu.memory_space<semaphore_mem>>, %arg9: memref<!tpu.dma_semaphore, #tpu.memory_space<semaphore_mem>>, %arg10: memref<!tpu.dma_semaphore, #tpu.memory_space<semaphore_mem>>, %arg11: memref<!tpu.dma_semaphore, #tpu.memory_space<semaphore_mem>>) attributes {dimension_semantics = [#tpu.dimension_semantics<core_parallel>, #tpu.dimension_semantics<subcore_parallel>], iteration_bounds = array<i64: 2, 16>, scalar_prefetch = 0 : i64, scratch_operands = 7 : i64, tpu.core_type = #tpu.core_type<sc_vector_subcore>, window_params = [{transform_indices = #map}, {transform_indices = #map1}, {transform_indices = #map2}]} {
    %mul3A = arith.constant 2 : i32
    %mul3A_0 = arith.muli %arg1, %mul3A : i32
    %add3A = arith.addi %mul3A_0, %arg0 : i32
    %mul3A_1 = arith.constant 200 : i32
    %mul3A_2 = arith.muli %add3A, %mul3A_1 : i32
    %mul3A_3 = arith.constant 25600 : i32
    %mul3A_4 = arith.muli %add3A, %mul3A_3 : i32
    "tpu.region"() ({
      %run_scoped3A = tpu.sem_alloc : memref<!tpu.dma_semaphore, #tpu.memory_space<semaphore_mem>>
      %dma_start3A_200 = tpu.memref_slice %arg2[%mul3A_4] : memref<819200xi32, #tpu.memory_space<hbm>> -> memref<25600xi32, #tpu.memory_space<hbm>>
      %dma_start3A_201 = tpu.memref_slice %arg2[%mul3A_4] : memref<819200xi32, #tpu.memory_space<hbm>> -> memref<25600xi32, #tpu.memory_space<hbm>>
      tpu.enqueue_dma source(%dma_start3A_201 : memref<25600xi32, #tpu.memory_space<hbm>>) target(%arg5 : memref<25600xi32, #tpu.memory_space<vmem>>) target_semaphore(%run_scoped3A : memref<!tpu.dma_semaphore, #tpu.memory_space<semaphore_mem>>)
      %dma_wait3A_202 = tpu.memref_slice %arg2[%mul3A_4] : memref<819200xi32, #tpu.memory_space<hbm>> -> memref<25600xi32, #tpu.memory_space<hbm>>
      %dma_wait3A_203 = tpu.memref_slice %arg2[%mul3A_4] : memref<819200xi32, #tpu.memory_space<hbm>> -> memref<25600xi32, #tpu.memory_space<hbm>>
      tpu.wait_dma2 semaphore(%run_scoped3A : memref<!tpu.dma_semaphore, #tpu.memory_space<semaphore_mem>>) src(%dma_wait3A_203 : memref<25600xi32, #tpu.memory_space<hbm>>) dst(%arg5 : memref<25600xi32, #tpu.memory_space<vmem>>)
      tpu.yield
    }) : () -> ()
    %dma_start3A = arith.constant 0 : i32
    %dma_start3A_5 = arith.constant 0 : i32
    %dma_start3A_6 = arith.constant 0 : i32
    %dma_start3A_7 = tpu.memref_slice %arg6[%dma_start3A, %dma_start3A_5, %dma_start3A_6] : memref<4x128x64xf32, #tpu.memory_space<vmem>> -> memref<1x128x64xf32, #tpu.memory_space<vmem>>
    %dma_start3A_8 = tpu.memref_squeeze %dma_start3A_7 : memref<1x128x64xf32, #tpu.memory_space<vmem>> -> memref<128x64xf32, #tpu.memory_space<vmem>>
    %dma_start3A_9 = arith.constant 0 : i32
    %dma_start3A_10 = tpu.memref_slice %arg5[%dma_start3A_9] : memref<25600xi32, #tpu.memory_space<vmem>> -> memref<128xi32, #tpu.memory_space<vmem>>
    %dma_start3A_11 = arith.constant 0 : i32
    %dma_start3A_12 = arith.constant 0 : i32
    %dma_start3A_13 = tpu.memref_slice %arg3[%dma_start3A_11, %dma_start3A_12] : memref<1000000x64xf32, #tpu.memory_space<hbm>> -> memref<1000000x64xf32, #tpu.memory_space<hbm>>
    tpu.enqueue_indirect_dma source(%dma_start3A_13 : memref<1000000x64xf32, #tpu.memory_space<hbm>>) target(%dma_start3A_8 : memref<128x64xf32, #tpu.memory_space<vmem>>) offsets(%dma_start3A_10 : memref<128xi32, #tpu.memory_space<vmem>>) semaphore(%arg8 : memref<!tpu.dma_semaphore, #tpu.memory_space<semaphore_mem>>)
    %dma_start3A_14 = arith.constant 1 : i32
    %dma_start3A_15 = arith.constant 0 : i32
    %dma_start3A_16 = arith.constant 0 : i32
    %dma_start3A_17 = tpu.memref_slice %arg6[%dma_start3A_14, %dma_start3A_15, %dma_start3A_16] : memref<4x128x64xf32, #tpu.memory_space<vmem>> -> memref<1x128x64xf32, #tpu.memory_space<vmem>>
    %dma_start3A_18 = tpu.memref_squeeze %dma_start3A_17 : memref<1x128x64xf32, #tpu.memory_space<vmem>> -> memref<128x64xf32, #tpu.memory_space<vmem>>
    %dma_start3A_19 = arith.constant 128 : i32
    %dma_start3A_20 = tpu.memref_slice %arg5[%dma_start3A_19] : memref<25600xi32, #tpu.memory_space<vmem>> -> memref<128xi32, #tpu.memory_space<vmem>>
    %dma_start3A_21 = arith.constant 0 : i32
    %dma_start3A_22 = arith.constant 0 : i32
    %dma_start3A_23 = tpu.memref_slice %arg3[%dma_start3A_21, %dma_start3A_22] : memref<1000000x64xf32, #tpu.memory_space<hbm>> -> memref<1000000x64xf32, #tpu.memory_space<hbm>>
    tpu.enqueue_indirect_dma source(%dma_start3A_23 : memref<1000000x64xf32, #tpu.memory_space<hbm>>) target(%dma_start3A_18 : memref<128x64xf32, #tpu.memory_space<vmem>>) offsets(%dma_start3A_20 : memref<128xi32, #tpu.memory_space<vmem>>) semaphore(%arg8 : memref<!tpu.dma_semaphore, #tpu.memory_space<semaphore_mem>>)
    %dma_start3A_24 = arith.constant 2 : i32
    %dma_start3A_25 = arith.constant 0 : i32
    %dma_start3A_26 = arith.constant 0 : i32
    %dma_start3A_27 = tpu.memref_slice %arg6[%dma_start3A_24, %dma_start3A_25, %dma_start3A_26] : memref<4x128x64xf32, #tpu.memory_space<vmem>> -> memref<1x128x64xf32, #tpu.memory_space<vmem>>
    %dma_start3A_28 = tpu.memref_squeeze %dma_start3A_27 : memref<1x128x64xf32, #tpu.memory_space<vmem>> -> memref<128x64xf32, #tpu.memory_space<vmem>>
    %dma_start3A_29 = arith.constant 256 : i32
    %dma_start3A_30 = tpu.memref_slice %arg5[%dma_start3A_29] : memref<25600xi32, #tpu.memory_space<vmem>> -> memref<128xi32, #tpu.memory_space<vmem>>
    %dma_start3A_31 = arith.constant 0 : i32
    %dma_start3A_32 = arith.constant 0 : i32
    %dma_start3A_33 = tpu.memref_slice %arg3[%dma_start3A_31, %dma_start3A_32] : memref<1000000x64xf32, #tpu.memory_space<hbm>> -> memref<1000000x64xf32, #tpu.memory_space<hbm>>
    tpu.enqueue_indirect_dma source(%dma_start3A_33 : memref<1000000x64xf32, #tpu.memory_space<hbm>>) target(%dma_start3A_28 : memref<128x64xf32, #tpu.memory_space<vmem>>) offsets(%dma_start3A_30 : memref<128xi32, #tpu.memory_space<vmem>>) semaphore(%arg8 : memref<!tpu.dma_semaphore, #tpu.memory_space<semaphore_mem>>)
    %dma_start3A_34 = arith.constant 3 : i32
    %dma_start3A_35 = arith.constant 0 : i32
    %dma_start3A_36 = arith.constant 0 : i32
    %dma_start3A_37 = tpu.memref_slice %arg6[%dma_start3A_34, %dma_start3A_35, %dma_start3A_36] : memref<4x128x64xf32, #tpu.memory_space<vmem>> -> memref<1x128x64xf32, #tpu.memory_space<vmem>>
    %dma_start3A_38 = tpu.memref_squeeze %dma_start3A_37 : memref<1x128x64xf32, #tpu.memory_space<vmem>> -> memref<128x64xf32, #tpu.memory_space<vmem>>
    %dma_start3A_39 = arith.constant 384 : i32
    %dma_start3A_40 = tpu.memref_slice %arg5[%dma_start3A_39] : memref<25600xi32, #tpu.memory_space<vmem>> -> memref<128xi32, #tpu.memory_space<vmem>>
    %dma_start3A_41 = arith.constant 0 : i32
    %dma_start3A_42 = arith.constant 0 : i32
    %dma_start3A_43 = tpu.memref_slice %arg3[%dma_start3A_41, %dma_start3A_42] : memref<1000000x64xf32, #tpu.memory_space<hbm>> -> memref<1000000x64xf32, #tpu.memory_space<hbm>>
    tpu.enqueue_indirect_dma source(%dma_start3A_43 : memref<1000000x64xf32, #tpu.memory_space<hbm>>) target(%dma_start3A_38 : memref<128x64xf32, #tpu.memory_space<vmem>>) offsets(%dma_start3A_40 : memref<128xi32, #tpu.memory_space<vmem>>) semaphore(%arg8 : memref<!tpu.dma_semaphore, #tpu.memory_space<semaphore_mem>>)
    %dma_start3A_44 = arith.constant 0 : i32
    %dma_start3A_45 = arith.constant 0 : i32
    %dma_start3A_46 = arith.constant 0 : i32
    %dma_start3A_47 = tpu.memref_slice %arg7[%dma_start3A_44, %dma_start3A_45, %dma_start3A_46] : memref<4x128x64xf32, #tpu.memory_space<vmem>> -> memref<1x128x64xf32, #tpu.memory_space<vmem>>
    %dma_start3A_48 = tpu.memref_squeeze %dma_start3A_47 : memref<1x128x64xf32, #tpu.memory_space<vmem>> -> memref<128x64xf32, #tpu.memory_space<vmem>>
    %dma_start3A_49 = arith.constant 512 : i32
    %dma_start3A_50 = tpu.memref_slice %arg5[%dma_start3A_49] : memref<25600xi32, #tpu.memory_space<vmem>> -> memref<128xi32, #tpu.memory_space<vmem>>
    %dma_start3A_51 = arith.constant 0 : i32
    %dma_start3A_52 = arith.constant 0 : i32
    %dma_start3A_53 = tpu.memref_slice %arg3[%dma_start3A_51, %dma_start3A_52] : memref<1000000x64xf32, #tpu.memory_space<hbm>> -> memref<1000000x64xf32, #tpu.memory_space<hbm>>
    tpu.enqueue_indirect_dma source(%dma_start3A_53 : memref<1000000x64xf32, #tpu.memory_space<hbm>>) target(%dma_start3A_48 : memref<128x64xf32, #tpu.memory_space<vmem>>) offsets(%dma_start3A_50 : memref<128xi32, #tpu.memory_space<vmem>>) semaphore(%arg9 : memref<!tpu.dma_semaphore, #tpu.memory_space<semaphore_mem>>)
    %dma_start3A_54 = arith.constant 1 : i32
    %dma_start3A_55 = arith.constant 0 : i32
    %dma_start3A_56 = arith.constant 0 : i32
    %dma_start3A_57 = tpu.memref_slice %arg7[%dma_start3A_54, %dma_start3A_55, %dma_start3A_56] : memref<4x128x64xf32, #tpu.memory_space<vmem>> -> memref<1x128x64xf32, #tpu.memory_space<vmem>>
    %dma_start3A_58 = tpu.memref_squeeze %dma_start3A_57 : memref<1x128x64xf32, #tpu.memory_space<vmem>> -> memref<128x64xf32, #tpu.memory_space<vmem>>
    %dma_start3A_59 = arith.constant 640 : i32
    %dma_start3A_60 = tpu.memref_slice %arg5[%dma_start3A_59] : memref<25600xi32, #tpu.memory_space<vmem>> -> memref<128xi32, #tpu.memory_space<vmem>>
    %dma_start3A_61 = arith.constant 0 : i32
    %dma_start3A_62 = arith.constant 0 : i32
    %dma_start3A_63 = tpu.memref_slice %arg3[%dma_start3A_61, %dma_start3A_62] : memref<1000000x64xf32, #tpu.memory_space<hbm>> -> memref<1000000x64xf32, #tpu.memory_space<hbm>>
    tpu.enqueue_indirect_dma source(%dma_start3A_63 : memref<1000000x64xf32, #tpu.memory_space<hbm>>) target(%dma_start3A_58 : memref<128x64xf32, #tpu.memory_space<vmem>>) offsets(%dma_start3A_60 : memref<128xi32, #tpu.memory_space<vmem>>) semaphore(%arg9 : memref<!tpu.dma_semaphore, #tpu.memory_space<semaphore_mem>>)
    %dma_start3A_64 = arith.constant 2 : i32
    %dma_start3A_65 = arith.constant 0 : i32
    %dma_start3A_66 = arith.constant 0 : i32
    %dma_start3A_67 = tpu.memref_slice %arg7[%dma_start3A_64, %dma_start3A_65, %dma_start3A_66] : memref<4x128x64xf32, #tpu.memory_space<vmem>> -> memref<1x128x64xf32, #tpu.memory_space<vmem>>
    %dma_start3A_68 = tpu.memref_squeeze %dma_start3A_67 : memref<1x128x64xf32, #tpu.memory_space<vmem>> -> memref<128x64xf32, #tpu.memory_space<vmem>>
    %dma_start3A_69 = arith.constant 768 : i32
    %dma_start3A_70 = tpu.memref_slice %arg5[%dma_start3A_69] : memref<25600xi32, #tpu.memory_space<vmem>> -> memref<128xi32, #tpu.memory_space<vmem>>
    %dma_start3A_71 = arith.constant 0 : i32
    %dma_start3A_72 = arith.constant 0 : i32
    %dma_start3A_73 = tpu.memref_slice %arg3[%dma_start3A_71, %dma_start3A_72] : memref<1000000x64xf32, #tpu.memory_space<hbm>> -> memref<1000000x64xf32, #tpu.memory_space<hbm>>
    tpu.enqueue_indirect_dma source(%dma_start3A_73 : memref<1000000x64xf32, #tpu.memory_space<hbm>>) target(%dma_start3A_68 : memref<128x64xf32, #tpu.memory_space<vmem>>) offsets(%dma_start3A_70 : memref<128xi32, #tpu.memory_space<vmem>>) semaphore(%arg9 : memref<!tpu.dma_semaphore, #tpu.memory_space<semaphore_mem>>)
    %dma_start3A_74 = arith.constant 3 : i32
    %dma_start3A_75 = arith.constant 0 : i32
    %dma_start3A_76 = arith.constant 0 : i32
    %dma_start3A_77 = tpu.memref_slice %arg7[%dma_start3A_74, %dma_start3A_75, %dma_start3A_76] : memref<4x128x64xf32, #tpu.memory_space<vmem>> -> memref<1x128x64xf32, #tpu.memory_space<vmem>>
    %dma_start3A_78 = tpu.memref_squeeze %dma_start3A_77 : memref<1x128x64xf32, #tpu.memory_space<vmem>> -> memref<128x64xf32, #tpu.memory_space<vmem>>
    %dma_start3A_79 = arith.constant 896 : i32
    %dma_start3A_80 = tpu.memref_slice %arg5[%dma_start3A_79] : memref<25600xi32, #tpu.memory_space<vmem>> -> memref<128xi32, #tpu.memory_space<vmem>>
    %dma_start3A_81 = arith.constant 0 : i32
    %dma_start3A_82 = arith.constant 0 : i32
    %dma_start3A_83 = tpu.memref_slice %arg3[%dma_start3A_81, %dma_start3A_82] : memref<1000000x64xf32, #tpu.memory_space<hbm>> -> memref<1000000x64xf32, #tpu.memory_space<hbm>>
    tpu.enqueue_indirect_dma source(%dma_start3A_83 : memref<1000000x64xf32, #tpu.memory_space<hbm>>) target(%dma_start3A_78 : memref<128x64xf32, #tpu.memory_space<vmem>>) offsets(%dma_start3A_80 : memref<128xi32, #tpu.memory_space<vmem>>) semaphore(%arg9 : memref<!tpu.dma_semaphore, #tpu.memory_space<semaphore_mem>>)
    %dma_wait3A = arith.constant 0 : i32
    %dma_wait3A_84 = arith.constant 0 : i32
    %dma_wait3A_85 = arith.constant 0 : i32
    %dma_wait3A_86 = tpu.memref_slice %arg6[%dma_wait3A, %dma_wait3A_84, %dma_wait3A_85] : memref<4x128x64xf32, #tpu.memory_space<vmem>> -> memref<1x128x64xf32, #tpu.memory_space<vmem>>
    %dma_wait3A_87 = tpu.memref_squeeze %dma_wait3A_86 : memref<1x128x64xf32, #tpu.memory_space<vmem>> -> memref<128x64xf32, #tpu.memory_space<vmem>>
    %dma_wait3A_88 = arith.constant 0 : i32
    %dma_wait3A_89 = tpu.memref_slice %arg5[%dma_wait3A_88] : memref<25600xi32, #tpu.memory_space<vmem>> -> memref<128xi32, #tpu.memory_space<vmem>>
    %dma_wait3A_90 = arith.constant 0 : i32
    %dma_wait3A_91 = arith.constant 0 : i32
    %dma_wait3A_92 = tpu.memref_slice %arg3[%dma_wait3A_90, %dma_wait3A_91] : memref<1000000x64xf32, #tpu.memory_space<hbm>> -> memref<1000000x64xf32, #tpu.memory_space<hbm>>
    tpu.wait_indirect_dma semaphore(%arg8 : memref<!tpu.dma_semaphore, #tpu.memory_space<semaphore_mem>>) src(%dma_wait3A_92 : memref<1000000x64xf32, #tpu.memory_space<hbm>>) dst(%dma_wait3A_87 : memref<128x64xf32, #tpu.memory_space<vmem>>)
    %dma_wait3A_93 = arith.constant 1 : i32
    %dma_wait3A_94 = arith.constant 0 : i32
    %dma_wait3A_95 = arith.constant 0 : i32
    %dma_wait3A_96 = tpu.memref_slice %arg6[%dma_wait3A_93, %dma_wait3A_94, %dma_wait3A_95] : memref<4x128x64xf32, #tpu.memory_space<vmem>> -> memref<1x128x64xf32, #tpu.memory_space<vmem>>
    %dma_wait3A_97 = tpu.memref_squeeze %dma_wait3A_96 : memref<1x128x64xf32, #tpu.memory_space<vmem>> -> memref<128x64xf32, #tpu.memory_space<vmem>>
    %dma_wait3A_98 = arith.constant 128 : i32
    %dma_wait3A_99 = tpu.memref_slice %arg5[%dma_wait3A_98] : memref<25600xi32, #tpu.memory_space<vmem>> -> memref<128xi32, #tpu.memory_space<vmem>>
    %dma_wait3A_100 = arith.constant 0 : i32
    %dma_wait3A_101 = arith.constant 0 : i32
    %dma_wait3A_102 = tpu.memref_slice %arg3[%dma_wait3A_100, %dma_wait3A_101] : memref<1000000x64xf32, #tpu.memory_space<hbm>> -> memref<1000000x64xf32, #tpu.memory_space<hbm>>
    tpu.wait_indirect_dma semaphore(%arg8 : memref<!tpu.dma_semaphore, #tpu.memory_space<semaphore_mem>>) src(%dma_wait3A_102 : memref<1000000x64xf32, #tpu.memory_space<hbm>>) dst(%dma_wait3A_97 : memref<128x64xf32, #tpu.memory_space<vmem>>)
    %dma_wait3A_103 = arith.constant 2 : i32
    %dma_wait3A_104 = arith.constant 0 : i32
    %dma_wait3A_105 = arith.constant 0 : i32
    %dma_wait3A_106 = tpu.memref_slice %arg6[%dma_wait3A_103, %dma_wait3A_104, %dma_wait3A_105] : memref<4x128x64xf32, #tpu.memory_space<vmem>> -> memref<1x128x64xf32, #tpu.memory_space<vmem>>
    %dma_wait3A_107 = tpu.memref_squeeze %dma_wait3A_106 : memref<1x128x64xf32, #tpu.memory_space<vmem>> -> memref<128x64xf32, #tpu.memory_space<vmem>>
    %dma_wait3A_108 = arith.constant 256 : i32
    %dma_wait3A_109 = tpu.memref_slice %arg5[%dma_wait3A_108] : memref<25600xi32, #tpu.memory_space<vmem>> -> memref<128xi32, #tpu.memory_space<vmem>>
    %dma_wait3A_110 = arith.constant 0 : i32
    %dma_wait3A_111 = arith.constant 0 : i32
    %dma_wait3A_112 = tpu.memref_slice %arg3[%dma_wait3A_110, %dma_wait3A_111] : memref<1000000x64xf32, #tpu.memory_space<hbm>> -> memref<1000000x64xf32, #tpu.memory_space<hbm>>
    tpu.wait_indirect_dma semaphore(%arg8 : memref<!tpu.dma_semaphore, #tpu.memory_space<semaphore_mem>>) src(%dma_wait3A_112 : memref<1000000x64xf32, #tpu.memory_space<hbm>>) dst(%dma_wait3A_107 : memref<128x64xf32, #tpu.memory_space<vmem>>)
    %dma_wait3A_113 = arith.constant 3 : i32
    %dma_wait3A_114 = arith.constant 0 : i32
    %dma_wait3A_115 = arith.constant 0 : i32
    %dma_wait3A_116 = tpu.memref_slice %arg6[%dma_wait3A_113, %dma_wait3A_114, %dma_wait3A_115] : memref<4x128x64xf32, #tpu.memory_space<vmem>> -> memref<1x128x64xf32, #tpu.memory_space<vmem>>
    %dma_wait3A_117 = tpu.memref_squeeze %dma_wait3A_116 : memref<1x128x64xf32, #tpu.memory_space<vmem>> -> memref<128x64xf32, #tpu.memory_space<vmem>>
    %dma_wait3A_118 = arith.constant 384 : i32
    %dma_wait3A_119 = tpu.memref_slice %arg5[%dma_wait3A_118] : memref<25600xi32, #tpu.memory_space<vmem>> -> memref<128xi32, #tpu.memory_space<vmem>>
    %dma_wait3A_120 = arith.constant 0 : i32
    %dma_wait3A_121 = arith.constant 0 : i32
    %dma_wait3A_122 = tpu.memref_slice %arg3[%dma_wait3A_120, %dma_wait3A_121] : memref<1000000x64xf32, #tpu.memory_space<hbm>> -> memref<1000000x64xf32, #tpu.memory_space<hbm>>
    tpu.wait_indirect_dma semaphore(%arg8 : memref<!tpu.dma_semaphore, #tpu.memory_space<semaphore_mem>>) src(%dma_wait3A_122 : memref<1000000x64xf32, #tpu.memory_space<hbm>>) dst(%dma_wait3A_117 : memref<128x64xf32, #tpu.memory_space<vmem>>)
    %add3A_123 = arith.constant 0 : i32
    %add3A_124 = arith.addi %mul3A_2, %add3A_123 : i32
    %dma_start3A_125 = arith.constant 0 : i32
    %dma_start3A_126 = arith.constant 0 : i32
    %dma_start3A_127 = tpu.memref_slice %arg4[%add3A_124, %dma_start3A_125, %dma_start3A_126] : memref<6400x128x128xf32, #tpu.memory_space<hbm>> -> memref<4x128x64xf32, #tpu.memory_space<hbm>>
    %dma_start3A_128 = arith.constant 0 : i32
    %dma_start3A_129 = arith.constant 0 : i32
    %dma_start3A_130 = tpu.memref_slice %arg4[%add3A_124, %dma_start3A_128, %dma_start3A_129] : memref<6400x128x128xf32, #tpu.memory_space<hbm>> -> memref<4x128x64xf32, #tpu.memory_space<hbm>>
    tpu.enqueue_dma source(%arg6 : memref<4x128x64xf32, #tpu.memory_space<vmem>>) target(%dma_start3A_130 : memref<4x128x64xf32, #tpu.memory_space<hbm>>) target_semaphore(%arg10 : memref<!tpu.dma_semaphore, #tpu.memory_space<semaphore_mem>>)
    %scan3A = arith.constant 0 : i32
    %scan3A_131 = arith.constant 0 : i32
    %scan3A_132 = arith.constant 24 : i32
    %scan3A_133 = arith.addi %scan3A_131, %scan3A_132 : i32
    %scan3A_134 = arith.constant 1 : i32
    scf.for %scan3A_200 = %scan3A_131 to %scan3A_133 step %scan3A_134  : i32 {
      %mul3A_201 = arith.constant 2 : i32
      %mul3A_202 = arith.muli %mul3A_201, %scan3A_200 : i32
      %add3A_203 = arith.constant 2 : i32
      %add3A_204 = arith.addi %add3A_203, %mul3A_202 : i32
      %add3A_205 = arith.constant 0 : i32
      %add3A_206 = arith.addi %add3A_204, %add3A_205 : i32
      %sub3A = arith.constant 2 : i32
      %sub3A_207 = arith.subi %add3A_206, %sub3A : i32
      %mul3A_208 = arith.constant 4 : i32
      %mul3A_209 = arith.muli %sub3A_207, %mul3A_208 : i32
      %add3A_210 = arith.addi %mul3A_2, %mul3A_209 : i32
      %dma_wait3A_211 = arith.constant 0 : i32
      %dma_wait3A_212 = arith.constant 0 : i32
      %dma_wait3A_213 = tpu.memref_slice %arg4[%add3A_210, %dma_wait3A_211, %dma_wait3A_212] : memref<6400x128x128xf32, #tpu.memory_space<hbm>> -> memref<4x128x64xf32, #tpu.memory_space<hbm>>
      %dma_wait3A_214 = arith.constant 0 : i32
      %dma_wait3A_215 = arith.constant 0 : i32
      %dma_wait3A_216 = tpu.memref_slice %arg4[%add3A_210, %dma_wait3A_214, %dma_wait3A_215] : memref<6400x128x128xf32, #tpu.memory_space<hbm>> -> memref<4x128x64xf32, #tpu.memory_space<hbm>>
      tpu.wait_dma2 semaphore(%arg10 : memref<!tpu.dma_semaphore, #tpu.memory_space<semaphore_mem>>) src(%arg6 : memref<4x128x64xf32, #tpu.memory_space<vmem>>) dst(%dma_wait3A_216 : memref<4x128x64xf32, #tpu.memory_space<hbm>>)
      %mul3A_217 = arith.constant 4 : i32
      %mul3A_218 = arith.muli %add3A_206, %mul3A_217 : i32
      %add3A_219 = arith.constant 0 : i32
      %add3A_220 = arith.addi %mul3A_218, %add3A_219 : i32
      %mul3A_221 = arith.constant 128 : i32
      %mul3A_222 = arith.muli %add3A_220, %mul3A_221 : i32
      %dma_start3A_223 = arith.constant 0 : i32
      %dma_start3A_224 = arith.constant 0 : i32
      %dma_start3A_225 = arith.constant 0 : i32
      %dma_start3A_226 = tpu.memref_slice %arg6[%dma_start3A_223, %dma_start3A_224, %dma_start3A_225] : memref<4x128x64xf32, #tpu.memory_space<vmem>> -> memref<1x128x64xf32, #tpu.memory_space<vmem>>
      %dma_start3A_227 = tpu.memref_squeeze %dma_start3A_226 : memref<1x128x64xf32, #tpu.memory_space<vmem>> -> memref<128x64xf32, #tpu.memory_space<vmem>>
      %dma_start3A_228 = tpu.memref_slice %arg5[%mul3A_222] : memref<25600xi32, #tpu.memory_space<vmem>> -> memref<128xi32, #tpu.memory_space<vmem>>
      %dma_start3A_229 = arith.constant 0 : i32
      %dma_start3A_230 = arith.constant 0 : i32
      %dma_start3A_231 = tpu.memref_slice %arg3[%dma_start3A_229, %dma_start3A_230] : memref<1000000x64xf32, #tpu.memory_space<hbm>> -> memref<1000000x64xf32, #tpu.memory_space<hbm>>
      tpu.enqueue_indirect_dma source(%dma_start3A_231 : memref<1000000x64xf32, #tpu.memory_space<hbm>>) target(%dma_start3A_227 : memref<128x64xf32, #tpu.memory_space<vmem>>) offsets(%dma_start3A_228 : memref<128xi32, #tpu.memory_space<vmem>>) semaphore(%arg8 : memref<!tpu.dma_semaphore, #tpu.memory_space<semaphore_mem>>)
      %mul3A_232 = arith.constant 4 : i32
      %mul3A_233 = arith.muli %add3A_206, %mul3A_232 : i32
      %add3A_234 = arith.constant 1 : i32
      %add3A_235 = arith.addi %mul3A_233, %add3A_234 : i32
      %mul3A_236 = arith.constant 128 : i32
      %mul3A_237 = arith.muli %add3A_235, %mul3A_236 : i32
      %dma_start3A_238 = arith.constant 1 : i32
      %dma_start3A_239 = arith.constant 0 : i32
      %dma_start3A_240 = arith.constant 0 : i32
      %dma_start3A_241 = tpu.memref_slice %arg6[%dma_start3A_238, %dma_start3A_239, %dma_start3A_240] : memref<4x128x64xf32, #tpu.memory_space<vmem>> -> memref<1x128x64xf32, #tpu.memory_space<vmem>>
      %dma_start3A_242 = tpu.memref_squeeze %dma_start3A_241 : memref<1x128x64xf32, #tpu.memory_space<vmem>> -> memref<128x64xf32, #tpu.memory_space<vmem>>
      %dma_start3A_243 = tpu.memref_slice %arg5[%mul3A_237] : memref<25600xi32, #tpu.memory_space<vmem>> -> memref<128xi32, #tpu.memory_space<vmem>>
      %dma_start3A_244 = arith.constant 0 : i32
      %dma_start3A_245 = arith.constant 0 : i32
      %dma_start3A_246 = tpu.memref_slice %arg3[%dma_start3A_244, %dma_start3A_245] : memref<1000000x64xf32, #tpu.memory_space<hbm>> -> memref<1000000x64xf32, #tpu.memory_space<hbm>>
      tpu.enqueue_indirect_dma source(%dma_start3A_246 : memref<1000000x64xf32, #tpu.memory_space<hbm>>) target(%dma_start3A_242 : memref<128x64xf32, #tpu.memory_space<vmem>>) offsets(%dma_start3A_243 : memref<128xi32, #tpu.memory_space<vmem>>) semaphore(%arg8 : memref<!tpu.dma_semaphore, #tpu.memory_space<semaphore_mem>>)
      %mul3A_247 = arith.constant 4 : i32
      %mul3A_248 = arith.muli %add3A_206, %mul3A_247 : i32
      %add3A_249 = arith.constant 2 : i32
      %add3A_250 = arith.addi %mul3A_248, %add3A_249 : i32
      %mul3A_251 = arith.constant 128 : i32
      %mul3A_252 = arith.muli %add3A_250, %mul3A_251 : i32
      %dma_start3A_253 = arith.constant 2 : i32
      %dma_start3A_254 = arith.constant 0 : i32
      %dma_start3A_255 = arith.constant 0 : i32
      %dma_start3A_256 = tpu.memref_slice %arg6[%dma_start3A_253, %dma_start3A_254, %dma_start3A_255] : memref<4x128x64xf32, #tpu.memory_space<vmem>> -> memref<1x128x64xf32, #tpu.memory_space<vmem>>
      %dma_start3A_257 = tpu.memref_squeeze %dma_start3A_256 : memref<1x128x64xf32, #tpu.memory_space<vmem>> -> memref<128x64xf32, #tpu.memory_space<vmem>>
      %dma_start3A_258 = tpu.memref_slice %arg5[%mul3A_252] : memref<25600xi32, #tpu.memory_space<vmem>> -> memref<128xi32, #tpu.memory_space<vmem>>
      %dma_start3A_259 = arith.constant 0 : i32
      %dma_start3A_260 = arith.constant 0 : i32
      %dma_start3A_261 = tpu.memref_slice %arg3[%dma_start3A_259, %dma_start3A_260] : memref<1000000x64xf32, #tpu.memory_space<hbm>> -> memref<1000000x64xf32, #tpu.memory_space<hbm>>
      tpu.enqueue_indirect_dma source(%dma_start3A_261 : memref<1000000x64xf32, #tpu.memory_space<hbm>>) target(%dma_start3A_257 : memref<128x64xf32, #tpu.memory_space<vmem>>) offsets(%dma_start3A_258 : memref<128xi32, #tpu.memory_space<vmem>>) semaphore(%arg8 : memref<!tpu.dma_semaphore, #tpu.memory_space<semaphore_mem>>)
      %mul3A_262 = arith.constant 4 : i32
      %mul3A_263 = arith.muli %add3A_206, %mul3A_262 : i32
      %add3A_264 = arith.constant 3 : i32
      %add3A_265 = arith.addi %mul3A_263, %add3A_264 : i32
      %mul3A_266 = arith.constant 128 : i32
      %mul3A_267 = arith.muli %add3A_265, %mul3A_266 : i32
      %dma_start3A_268 = arith.constant 3 : i32
      %dma_start3A_269 = arith.constant 0 : i32
      %dma_start3A_270 = arith.constant 0 : i32
      %dma_start3A_271 = tpu.memref_slice %arg6[%dma_start3A_268, %dma_start3A_269, %dma_start3A_270] : memref<4x128x64xf32, #tpu.memory_space<vmem>> -> memref<1x128x64xf32, #tpu.memory_space<vmem>>
      %dma_start3A_272 = tpu.memref_squeeze %dma_start3A_271 : memref<1x128x64xf32, #tpu.memory_space<vmem>> -> memref<128x64xf32, #tpu.memory_space<vmem>>
      %dma_start3A_273 = tpu.memref_slice %arg5[%mul3A_267] : memref<25600xi32, #tpu.memory_space<vmem>> -> memref<128xi32, #tpu.memory_space<vmem>>
      %dma_start3A_274 = arith.constant 0 : i32
      %dma_start3A_275 = arith.constant 0 : i32
      %dma_start3A_276 = tpu.memref_slice %arg3[%dma_start3A_274, %dma_start3A_275] : memref<1000000x64xf32, #tpu.memory_space<hbm>> -> memref<1000000x64xf32, #tpu.memory_space<hbm>>
      tpu.enqueue_indirect_dma source(%dma_start3A_276 : memref<1000000x64xf32, #tpu.memory_space<hbm>>) target(%dma_start3A_272 : memref<128x64xf32, #tpu.memory_space<vmem>>) offsets(%dma_start3A_273 : memref<128xi32, #tpu.memory_space<vmem>>) semaphore(%arg8 : memref<!tpu.dma_semaphore, #tpu.memory_space<semaphore_mem>>)
      %sub3A_277 = arith.constant 1 : i32
      %sub3A_278 = arith.subi %add3A_206, %sub3A_277 : i32
      %mul3A_279 = arith.constant 4 : i32
      %mul3A_280 = arith.muli %sub3A_278, %mul3A_279 : i32
      %add3A_281 = arith.constant 0 : i32
      %add3A_282 = arith.addi %mul3A_280, %add3A_281 : i32
      %mul3A_283 = arith.constant 128 : i32
      %mul3A_284 = arith.muli %add3A_282, %mul3A_283 : i32
      %dma_wait3A_285 = arith.constant 0 : i32
      %dma_wait3A_286 = arith.constant 0 : i32
      %dma_wait3A_287 = arith.constant 0 : i32
      %dma_wait3A_288 = tpu.memref_slice %arg7[%dma_wait3A_285, %dma_wait3A_286, %dma_wait3A_287] : memref<4x128x64xf32, #tpu.memory_space<vmem>> -> memref<1x128x64xf32, #tpu.memory_space<vmem>>
      %dma_wait3A_289 = tpu.memref_squeeze %dma_wait3A_288 : memref<1x128x64xf32, #tpu.memory_space<vmem>> -> memref<128x64xf32, #tpu.memory_space<vmem>>
      %dma_wait3A_290 = tpu.memref_slice %arg5[%mul3A_284] : memref<25600xi32, #tpu.memory_space<vmem>> -> memref<128xi32, #tpu.memory_space<vmem>>
      %dma_wait3A_291 = arith.constant 0 : i32
      %dma_wait3A_292 = arith.constant 0 : i32
      %dma_wait3A_293 = tpu.memref_slice %arg3[%dma_wait3A_291, %dma_wait3A_292] : memref<1000000x64xf32, #tpu.memory_space<hbm>> -> memref<1000000x64xf32, #tpu.memory_space<hbm>>
      tpu.wait_indirect_dma semaphore(%arg9 : memref<!tpu.dma_semaphore, #tpu.memory_space<semaphore_mem>>) src(%dma_wait3A_293 : memref<1000000x64xf32, #tpu.memory_space<hbm>>) dst(%dma_wait3A_289 : memref<128x64xf32, #tpu.memory_space<vmem>>)
      %mul3A_294 = arith.constant 4 : i32
      %mul3A_295 = arith.muli %sub3A_278, %mul3A_294 : i32
      %add3A_296 = arith.constant 1 : i32
      %add3A_297 = arith.addi %mul3A_295, %add3A_296 : i32
      %mul3A_298 = arith.constant 128 : i32
      %mul3A_299 = arith.muli %add3A_297, %mul3A_298 : i32
      %dma_wait3A_300 = arith.constant 1 : i32
      %dma_wait3A_301 = arith.constant 0 : i32
      %dma_wait3A_302 = arith.constant 0 : i32
      %dma_wait3A_303 = tpu.memref_slice %arg7[%dma_wait3A_300, %dma_wait3A_301, %dma_wait3A_302] : memref<4x128x64xf32, #tpu.memory_space<vmem>> -> memref<1x128x64xf32, #tpu.memory_space<vmem>>
      %dma_wait3A_304 = tpu.memref_squeeze %dma_wait3A_303 : memref<1x128x64xf32, #tpu.memory_space<vmem>> -> memref<128x64xf32, #tpu.memory_space<vmem>>
      %dma_wait3A_305 = tpu.memref_slice %arg5[%mul3A_299] : memref<25600xi32, #tpu.memory_space<vmem>> -> memref<128xi32, #tpu.memory_space<vmem>>
      %dma_wait3A_306 = arith.constant 0 : i32
      %dma_wait3A_307 = arith.constant 0 : i32
      %dma_wait3A_308 = tpu.memref_slice %arg3[%dma_wait3A_306, %dma_wait3A_307] : memref<1000000x64xf32, #tpu.memory_space<hbm>> -> memref<1000000x64xf32, #tpu.memory_space<hbm>>
      tpu.wait_indirect_dma semaphore(%arg9 : memref<!tpu.dma_semaphore, #tpu.memory_space<semaphore_mem>>) src(%dma_wait3A_308 : memref<1000000x64xf32, #tpu.memory_space<hbm>>) dst(%dma_wait3A_304 : memref<128x64xf32, #tpu.memory_space<vmem>>)
      %mul3A_309 = arith.constant 4 : i32
      %mul3A_310 = arith.muli %sub3A_278, %mul3A_309 : i32
      %add3A_311 = arith.constant 2 : i32
      %add3A_312 = arith.addi %mul3A_310, %add3A_311 : i32
      %mul3A_313 = arith.constant 128 : i32
      %mul3A_314 = arith.muli %add3A_312, %mul3A_313 : i32
      %dma_wait3A_315 = arith.constant 2 : i32
      %dma_wait3A_316 = arith.constant 0 : i32
      %dma_wait3A_317 = arith.constant 0 : i32
      %dma_wait3A_318 = tpu.memref_slice %arg7[%dma_wait3A_315, %dma_wait3A_316, %dma_wait3A_317] : memref<4x128x64xf32, #tpu.memory_space<vmem>> -> memref<1x128x64xf32, #tpu.memory_space<vmem>>
      %dma_wait3A_319 = tpu.memref_squeeze %dma_wait3A_318 : memref<1x128x64xf32, #tpu.memory_space<vmem>> -> memref<128x64xf32, #tpu.memory_space<vmem>>
      %dma_wait3A_320 = tpu.memref_slice %arg5[%mul3A_314] : memref<25600xi32, #tpu.memory_space<vmem>> -> memref<128xi32, #tpu.memory_space<vmem>>
      %dma_wait3A_321 = arith.constant 0 : i32
      %dma_wait3A_322 = arith.constant 0 : i32
      %dma_wait3A_323 = tpu.memref_slice %arg3[%dma_wait3A_321, %dma_wait3A_322] : memref<1000000x64xf32, #tpu.memory_space<hbm>> -> memref<1000000x64xf32, #tpu.memory_space<hbm>>
      tpu.wait_indirect_dma semaphore(%arg9 : memref<!tpu.dma_semaphore, #tpu.memory_space<semaphore_mem>>) src(%dma_wait3A_323 : memref<1000000x64xf32, #tpu.memory_space<hbm>>) dst(%dma_wait3A_319 : memref<128x64xf32, #tpu.memory_space<vmem>>)
      %mul3A_324 = arith.constant 4 : i32
      %mul3A_325 = arith.muli %sub3A_278, %mul3A_324 : i32
      %add3A_326 = arith.constant 3 : i32
      %add3A_327 = arith.addi %mul3A_325, %add3A_326 : i32
      %mul3A_328 = arith.constant 128 : i32
      %mul3A_329 = arith.muli %add3A_327, %mul3A_328 : i32
      %dma_wait3A_330 = arith.constant 3 : i32
      %dma_wait3A_331 = arith.constant 0 : i32
      %dma_wait3A_332 = arith.constant 0 : i32
      %dma_wait3A_333 = tpu.memref_slice %arg7[%dma_wait3A_330, %dma_wait3A_331, %dma_wait3A_332] : memref<4x128x64xf32, #tpu.memory_space<vmem>> -> memref<1x128x64xf32, #tpu.memory_space<vmem>>
      %dma_wait3A_334 = tpu.memref_squeeze %dma_wait3A_333 : memref<1x128x64xf32, #tpu.memory_space<vmem>> -> memref<128x64xf32, #tpu.memory_space<vmem>>
      %dma_wait3A_335 = tpu.memref_slice %arg5[%mul3A_329] : memref<25600xi32, #tpu.memory_space<vmem>> -> memref<128xi32, #tpu.memory_space<vmem>>
      %dma_wait3A_336 = arith.constant 0 : i32
      %dma_wait3A_337 = arith.constant 0 : i32
      %dma_wait3A_338 = tpu.memref_slice %arg3[%dma_wait3A_336, %dma_wait3A_337] : memref<1000000x64xf32, #tpu.memory_space<hbm>> -> memref<1000000x64xf32, #tpu.memory_space<hbm>>
      tpu.wait_indirect_dma semaphore(%arg9 : memref<!tpu.dma_semaphore, #tpu.memory_space<semaphore_mem>>) src(%dma_wait3A_338 : memref<1000000x64xf32, #tpu.memory_space<hbm>>) dst(%dma_wait3A_334 : memref<128x64xf32, #tpu.memory_space<vmem>>)
      %sub3A_339 = arith.constant 1 : i32
      %sub3A_340 = arith.subi %add3A_206, %sub3A_339 : i32
      %mul3A_341 = arith.constant 4 : i32
      %mul3A_342 = arith.muli %sub3A_340, %mul3A_341 : i32
      %add3A_343 = arith.addi %mul3A_2, %mul3A_342 : i32
      %dma_start3A_344 = arith.constant 0 : i32
      %dma_start3A_345 = arith.constant 0 : i32
      %dma_start3A_346 = tpu.memref_slice %arg4[%add3A_343, %dma_start3A_344, %dma_start3A_345] : memref<6400x128x128xf32, #tpu.memory_space<hbm>> -> memref<4x128x64xf32, #tpu.memory_space<hbm>>
      %dma_start3A_347 = arith.constant 0 : i32
      %dma_start3A_348 = arith.constant 0 : i32
      %dma_start3A_349 = tpu.memref_slice %arg4[%add3A_343, %dma_start3A_347, %dma_start3A_348] : memref<6400x128x128xf32, #tpu.memory_space<hbm>> -> memref<4x128x64xf32, #tpu.memory_space<hbm>>
      tpu.enqueue_dma source(%arg7 : memref<4x128x64xf32, #tpu.memory_space<vmem>>) target(%dma_start3A_349 : memref<4x128x64xf32, #tpu.memory_space<hbm>>) target_semaphore(%arg11 : memref<!tpu.dma_semaphore, #tpu.memory_space<semaphore_mem>>)
      %mul3A_350 = arith.constant 2 : i32
      %mul3A_351 = arith.muli %mul3A_350, %scan3A_200 : i32
      %add3A_352 = arith.constant 2 : i32
      %add3A_353 = arith.addi %add3A_352, %mul3A_351 : i32
      %add3A_354 = arith.constant 1 : i32
      %add3A_355 = arith.addi %add3A_353, %add3A_354 : i32
      %sub3A_356 = arith.constant 2 : i32
      %sub3A_357 = arith.subi %add3A_355, %sub3A_356 : i32
      %mul3A_358 = arith.constant 4 : i32
      %mul3A_359 = arith.muli %sub3A_357, %mul3A_358 : i32
      %add3A_360 = arith.addi %mul3A_2, %mul3A_359 : i32
      %dma_wait3A_361 = arith.constant 0 : i32
      %dma_wait3A_362 = arith.constant 0 : i32
      %dma_wait3A_363 = tpu.memref_slice %arg4[%add3A_360, %dma_wait3A_361, %dma_wait3A_362] : memref<6400x128x128xf32, #tpu.memory_space<hbm>> -> memref<4x128x64xf32, #tpu.memory_space<hbm>>
      %dma_wait3A_364 = arith.constant 0 : i32
      %dma_wait3A_365 = arith.constant 0 : i32
      %dma_wait3A_366 = tpu.memref_slice %arg4[%add3A_360, %dma_wait3A_364, %dma_wait3A_365] : memref<6400x128x128xf32, #tpu.memory_space<hbm>> -> memref<4x128x64xf32, #tpu.memory_space<hbm>>
      tpu.wait_dma2 semaphore(%arg11 : memref<!tpu.dma_semaphore, #tpu.memory_space<semaphore_mem>>) src(%arg7 : memref<4x128x64xf32, #tpu.memory_space<vmem>>) dst(%dma_wait3A_366 : memref<4x128x64xf32, #tpu.memory_space<hbm>>)
      %mul3A_367 = arith.constant 4 : i32
      %mul3A_368 = arith.muli %add3A_355, %mul3A_367 : i32
      %add3A_369 = arith.constant 0 : i32
      %add3A_370 = arith.addi %mul3A_368, %add3A_369 : i32
      %mul3A_371 = arith.constant 128 : i32
      %mul3A_372 = arith.muli %add3A_370, %mul3A_371 : i32
      %dma_start3A_373 = arith.constant 0 : i32
      %dma_start3A_374 = arith.constant 0 : i32
      %dma_start3A_375 = arith.constant 0 : i32
      %dma_start3A_376 = tpu.memref_slice %arg7[%dma_start3A_373, %dma_start3A_374, %dma_start3A_375] : memref<4x128x64xf32, #tpu.memory_space<vmem>> -> memref<1x128x64xf32, #tpu.memory_space<vmem>>
      %dma_start3A_377 = tpu.memref_squeeze %dma_start3A_376 : memref<1x128x64xf32, #tpu.memory_space<vmem>> -> memref<128x64xf32, #tpu.memory_space<vmem>>
      %dma_start3A_378 = tpu.memref_slice %arg5[%mul3A_372] : memref<25600xi32, #tpu.memory_space<vmem>> -> memref<128xi32, #tpu.memory_space<vmem>>
      %dma_start3A_379 = arith.constant 0 : i32
      %dma_start3A_380 = arith.constant 0 : i32
      %dma_start3A_381 = tpu.memref_slice %arg3[%dma_start3A_379, %dma_start3A_380] : memref<1000000x64xf32, #tpu.memory_space<hbm>> -> memref<1000000x64xf32, #tpu.memory_space<hbm>>
      tpu.enqueue_indirect_dma source(%dma_start3A_381 : memref<1000000x64xf32, #tpu.memory_space<hbm>>) target(%dma_start3A_377 : memref<128x64xf32, #tpu.memory_space<vmem>>) offsets(%dma_start3A_378 : memref<128xi32, #tpu.memory_space<vmem>>) semaphore(%arg9 : memref<!tpu.dma_semaphore, #tpu.memory_space<semaphore_mem>>)
      %mul3A_382 = arith.constant 4 : i32
      %mul3A_383 = arith.muli %add3A_355, %mul3A_382 : i32
      %add3A_384 = arith.constant 1 : i32
      %add3A_385 = arith.addi %mul3A_383, %add3A_384 : i32
      %mul3A_386 = arith.constant 128 : i32
      %mul3A_387 = arith.muli %add3A_385, %mul3A_386 : i32
      %dma_start3A_388 = arith.constant 1 : i32
      %dma_start3A_389 = arith.constant 0 : i32
      %dma_start3A_390 = arith.constant 0 : i32
      %dma_start3A_391 = tpu.memref_slice %arg7[%dma_start3A_388, %dma_start3A_389, %dma_start3A_390] : memref<4x128x64xf32, #tpu.memory_space<vmem>> -> memref<1x128x64xf32, #tpu.memory_space<vmem>>
      %dma_start3A_392 = tpu.memref_squeeze %dma_start3A_391 : memref<1x128x64xf32, #tpu.memory_space<vmem>> -> memref<128x64xf32, #tpu.memory_space<vmem>>
      %dma_start3A_393 = tpu.memref_slice %arg5[%mul3A_387] : memref<25600xi32, #tpu.memory_space<vmem>> -> memref<128xi32, #tpu.memory_space<vmem>>
      %dma_start3A_394 = arith.constant 0 : i32
      %dma_start3A_395 = arith.constant 0 : i32
      %dma_start3A_396 = tpu.memref_slice %arg3[%dma_start3A_394, %dma_start3A_395] : memref<1000000x64xf32, #tpu.memory_space<hbm>> -> memref<1000000x64xf32, #tpu.memory_space<hbm>>
      tpu.enqueue_indirect_dma source(%dma_start3A_396 : memref<1000000x64xf32, #tpu.memory_space<hbm>>) target(%dma_start3A_392 : memref<128x64xf32, #tpu.memory_space<vmem>>) offsets(%dma_start3A_393 : memref<128xi32, #tpu.memory_space<vmem>>) semaphore(%arg9 : memref<!tpu.dma_semaphore, #tpu.memory_space<semaphore_mem>>)
      %mul3A_397 = arith.constant 4 : i32
      %mul3A_398 = arith.muli %add3A_355, %mul3A_397 : i32
      %add3A_399 = arith.constant 2 : i32
      %add3A_400 = arith.addi %mul3A_398, %add3A_399 : i32
      %mul3A_401 = arith.constant 128 : i32
      %mul3A_402 = arith.muli %add3A_400, %mul3A_401 : i32
      %dma_start3A_403 = arith.constant 2 : i32
      %dma_start3A_404 = arith.constant 0 : i32
      %dma_start3A_405 = arith.constant 0 : i32
      %dma_start3A_406 = tpu.memref_slice %arg7[%dma_start3A_403, %dma_start3A_404, %dma_start3A_405] : memref<4x128x64xf32, #tpu.memory_space<vmem>> -> memref<1x128x64xf32, #tpu.memory_space<vmem>>
      %dma_start3A_407 = tpu.memref_squeeze %dma_start3A_406 : memref<1x128x64xf32, #tpu.memory_space<vmem>> -> memref<128x64xf32, #tpu.memory_space<vmem>>
      %dma_start3A_408 = tpu.memref_slice %arg5[%mul3A_402] : memref<25600xi32, #tpu.memory_space<vmem>> -> memref<128xi32, #tpu.memory_space<vmem>>
      %dma_start3A_409 = arith.constant 0 : i32
      %dma_start3A_410 = arith.constant 0 : i32
      %dma_start3A_411 = tpu.memref_slice %arg3[%dma_start3A_409, %dma_start3A_410] : memref<1000000x64xf32, #tpu.memory_space<hbm>> -> memref<1000000x64xf32, #tpu.memory_space<hbm>>
      tpu.enqueue_indirect_dma source(%dma_start3A_411 : memref<1000000x64xf32, #tpu.memory_space<hbm>>) target(%dma_start3A_407 : memref<128x64xf32, #tpu.memory_space<vmem>>) offsets(%dma_start3A_408 : memref<128xi32, #tpu.memory_space<vmem>>) semaphore(%arg9 : memref<!tpu.dma_semaphore, #tpu.memory_space<semaphore_mem>>)
      %mul3A_412 = arith.constant 4 : i32
      %mul3A_413 = arith.muli %add3A_355, %mul3A_412 : i32
      %add3A_414 = arith.constant 3 : i32
      %add3A_415 = arith.addi %mul3A_413, %add3A_414 : i32
      %mul3A_416 = arith.constant 128 : i32
      %mul3A_417 = arith.muli %add3A_415, %mul3A_416 : i32
      %dma_start3A_418 = arith.constant 3 : i32
      %dma_start3A_419 = arith.constant 0 : i32
      %dma_start3A_420 = arith.constant 0 : i32
      %dma_start3A_421 = tpu.memref_slice %arg7[%dma_start3A_418, %dma_start3A_419, %dma_start3A_420] : memref<4x128x64xf32, #tpu.memory_space<vmem>> -> memref<1x128x64xf32, #tpu.memory_space<vmem>>
      %dma_start3A_422 = tpu.memref_squeeze %dma_start3A_421 : memref<1x128x64xf32, #tpu.memory_space<vmem>> -> memref<128x64xf32, #tpu.memory_space<vmem>>
      %dma_start3A_423 = tpu.memref_slice %arg5[%mul3A_417] : memref<25600xi32, #tpu.memory_space<vmem>> -> memref<128xi32, #tpu.memory_space<vmem>>
      %dma_start3A_424 = arith.constant 0 : i32
      %dma_start3A_425 = arith.constant 0 : i32
      %dma_start3A_426 = tpu.memref_slice %arg3[%dma_start3A_424, %dma_start3A_425] : memref<1000000x64xf32, #tpu.memory_space<hbm>> -> memref<1000000x64xf32, #tpu.memory_space<hbm>>
      tpu.enqueue_indirect_dma source(%dma_start3A_426 : memref<1000000x64xf32, #tpu.memory_space<hbm>>) target(%dma_start3A_422 : memref<128x64xf32, #tpu.memory_space<vmem>>) offsets(%dma_start3A_423 : memref<128xi32, #tpu.memory_space<vmem>>) semaphore(%arg9 : memref<!tpu.dma_semaphore, #tpu.memory_space<semaphore_mem>>)
      %sub3A_427 = arith.constant 1 : i32
      %sub3A_428 = arith.subi %add3A_355, %sub3A_427 : i32
      %mul3A_429 = arith.constant 4 : i32
      %mul3A_430 = arith.muli %sub3A_428, %mul3A_429 : i32
      %add3A_431 = arith.constant 0 : i32
      %add3A_432 = arith.addi %mul3A_430, %add3A_431 : i32
      %mul3A_433 = arith.constant 128 : i32
      %mul3A_434 = arith.muli %add3A_432, %mul3A_433 : i32
      %dma_wait3A_435 = arith.constant 0 : i32
      %dma_wait3A_436 = arith.constant 0 : i32
      %dma_wait3A_437 = arith.constant 0 : i32
      %dma_wait3A_438 = tpu.memref_slice %arg6[%dma_wait3A_435, %dma_wait3A_436, %dma_wait3A_437] : memref<4x128x64xf32, #tpu.memory_space<vmem>> -> memref<1x128x64xf32, #tpu.memory_space<vmem>>
      %dma_wait3A_439 = tpu.memref_squeeze %dma_wait3A_438 : memref<1x128x64xf32, #tpu.memory_space<vmem>> -> memref<128x64xf32, #tpu.memory_space<vmem>>
      %dma_wait3A_440 = tpu.memref_slice %arg5[%mul3A_434] : memref<25600xi32, #tpu.memory_space<vmem>> -> memref<128xi32, #tpu.memory_space<vmem>>
      %dma_wait3A_441 = arith.constant 0 : i32
      %dma_wait3A_442 = arith.constant 0 : i32
      %dma_wait3A_443 = tpu.memref_slice %arg3[%dma_wait3A_441, %dma_wait3A_442] : memref<1000000x64xf32, #tpu.memory_space<hbm>> -> memref<1000000x64xf32, #tpu.memory_space<hbm>>
      tpu.wait_indirect_dma semaphore(%arg8 : memref<!tpu.dma_semaphore, #tpu.memory_space<semaphore_mem>>) src(%dma_wait3A_443 : memref<1000000x64xf32, #tpu.memory_space<hbm>>) dst(%dma_wait3A_439 : memref<128x64xf32, #tpu.memory_space<vmem>>)
      %mul3A_444 = arith.constant 4 : i32
      %mul3A_445 = arith.muli %sub3A_428, %mul3A_444 : i32
      %add3A_446 = arith.constant 1 : i32
      %add3A_447 = arith.addi %mul3A_445, %add3A_446 : i32
      %mul3A_448 = arith.constant 128 : i32
      %mul3A_449 = arith.muli %add3A_447, %mul3A_448 : i32
      %dma_wait3A_450 = arith.constant 1 : i32
      %dma_wait3A_451 = arith.constant 0 : i32
      %dma_wait3A_452 = arith.constant 0 : i32
      %dma_wait3A_453 = tpu.memref_slice %arg6[%dma_wait3A_450, %dma_wait3A_451, %dma_wait3A_452] : memref<4x128x64xf32, #tpu.memory_space<vmem>> -> memref<1x128x64xf32, #tpu.memory_space<vmem>>
      %dma_wait3A_454 = tpu.memref_squeeze %dma_wait3A_453 : memref<1x128x64xf32, #tpu.memory_space<vmem>> -> memref<128x64xf32, #tpu.memory_space<vmem>>
      %dma_wait3A_455 = tpu.memref_slice %arg5[%mul3A_449] : memref<25600xi32, #tpu.memory_space<vmem>> -> memref<128xi32, #tpu.memory_space<vmem>>
      %dma_wait3A_456 = arith.constant 0 : i32
      %dma_wait3A_457 = arith.constant 0 : i32
      %dma_wait3A_458 = tpu.memref_slice %arg3[%dma_wait3A_456, %dma_wait3A_457] : memref<1000000x64xf32, #tpu.memory_space<hbm>> -> memref<1000000x64xf32, #tpu.memory_space<hbm>>
      tpu.wait_indirect_dma semaphore(%arg8 : memref<!tpu.dma_semaphore, #tpu.memory_space<semaphore_mem>>) src(%dma_wait3A_458 : memref<1000000x64xf32, #tpu.memory_space<hbm>>) dst(%dma_wait3A_454 : memref<128x64xf32, #tpu.memory_space<vmem>>)
      %mul3A_459 = arith.constant 4 : i32
      %mul3A_460 = arith.muli %sub3A_428, %mul3A_459 : i32
      %add3A_461 = arith.constant 2 : i32
      %add3A_462 = arith.addi %mul3A_460, %add3A_461 : i32
      %mul3A_463 = arith.constant 128 : i32
      %mul3A_464 = arith.muli %add3A_462, %mul3A_463 : i32
      %dma_wait3A_465 = arith.constant 2 : i32
      %dma_wait3A_466 = arith.constant 0 : i32
      %dma_wait3A_467 = arith.constant 0 : i32
      %dma_wait3A_468 = tpu.memref_slice %arg6[%dma_wait3A_465, %dma_wait3A_466, %dma_wait3A_467] : memref<4x128x64xf32, #tpu.memory_space<vmem>> -> memref<1x128x64xf32, #tpu.memory_space<vmem>>
      %dma_wait3A_469 = tpu.memref_squeeze %dma_wait3A_468 : memref<1x128x64xf32, #tpu.memory_space<vmem>> -> memref<128x64xf32, #tpu.memory_space<vmem>>
      %dma_wait3A_470 = tpu.memref_slice %arg5[%mul3A_464] : memref<25600xi32, #tpu.memory_space<vmem>> -> memref<128xi32, #tpu.memory_space<vmem>>
      %dma_wait3A_471 = arith.constant 0 : i32
      %dma_wait3A_472 = arith.constant 0 : i32
      %dma_wait3A_473 = tpu.memref_slice %arg3[%dma_wait3A_471, %dma_wait3A_472] : memref<1000000x64xf32, #tpu.memory_space<hbm>> -> memref<1000000x64xf32, #tpu.memory_space<hbm>>
      tpu.wait_indirect_dma semaphore(%arg8 : memref<!tpu.dma_semaphore, #tpu.memory_space<semaphore_mem>>) src(%dma_wait3A_473 : memref<1000000x64xf32, #tpu.memory_space<hbm>>) dst(%dma_wait3A_469 : memref<128x64xf32, #tpu.memory_space<vmem>>)
      %mul3A_474 = arith.constant 4 : i32
      %mul3A_475 = arith.muli %sub3A_428, %mul3A_474 : i32
      %add3A_476 = arith.constant 3 : i32
      %add3A_477 = arith.addi %mul3A_475, %add3A_476 : i32
      %mul3A_478 = arith.constant 128 : i32
      %mul3A_479 = arith.muli %add3A_477, %mul3A_478 : i32
      %dma_wait3A_480 = arith.constant 3 : i32
      %dma_wait3A_481 = arith.constant 0 : i32
      %dma_wait3A_482 = arith.constant 0 : i32
      %dma_wait3A_483 = tpu.memref_slice %arg6[%dma_wait3A_480, %dma_wait3A_481, %dma_wait3A_482] : memref<4x128x64xf32, #tpu.memory_space<vmem>> -> memref<1x128x64xf32, #tpu.memory_space<vmem>>
      %dma_wait3A_484 = tpu.memref_squeeze %dma_wait3A_483 : memref<1x128x64xf32, #tpu.memory_space<vmem>> -> memref<128x64xf32, #tpu.memory_space<vmem>>
      %dma_wait3A_485 = tpu.memref_slice %arg5[%mul3A_479] : memref<25600xi32, #tpu.memory_space<vmem>> -> memref<128xi32, #tpu.memory_space<vmem>>
      %dma_wait3A_486 = arith.constant 0 : i32
      %dma_wait3A_487 = arith.constant 0 : i32
      %dma_wait3A_488 = tpu.memref_slice %arg3[%dma_wait3A_486, %dma_wait3A_487] : memref<1000000x64xf32, #tpu.memory_space<hbm>> -> memref<1000000x64xf32, #tpu.memory_space<hbm>>
      tpu.wait_indirect_dma semaphore(%arg8 : memref<!tpu.dma_semaphore, #tpu.memory_space<semaphore_mem>>) src(%dma_wait3A_488 : memref<1000000x64xf32, #tpu.memory_space<hbm>>) dst(%dma_wait3A_484 : memref<128x64xf32, #tpu.memory_space<vmem>>)
      %sub3A_489 = arith.constant 1 : i32
      %sub3A_490 = arith.subi %add3A_355, %sub3A_489 : i32
      %mul3A_491 = arith.constant 4 : i32
      %mul3A_492 = arith.muli %sub3A_490, %mul3A_491 : i32
      %add3A_493 = arith.addi %mul3A_2, %mul3A_492 : i32
      %dma_start3A_494 = arith.constant 0 : i32
      %dma_start3A_495 = arith.constant 0 : i32
      %dma_start3A_496 = tpu.memref_slice %arg4[%add3A_493, %dma_start3A_494, %dma_start3A_495] : memref<6400x128x128xf32, #tpu.memory_space<hbm>> -> memref<4x128x64xf32, #tpu.memory_space<hbm>>
      %dma_start3A_497 = arith.constant 0 : i32
      %dma_start3A_498 = arith.constant 0 : i32
      %dma_start3A_499 = tpu.memref_slice %arg4[%add3A_493, %dma_start3A_497, %dma_start3A_498] : memref<6400x128x128xf32, #tpu.memory_space<hbm>> -> memref<4x128x64xf32, #tpu.memory_space<hbm>>
      tpu.enqueue_dma source(%arg6 : memref<4x128x64xf32, #tpu.memory_space<vmem>>) target(%dma_start3A_499 : memref<4x128x64xf32, #tpu.memory_space<hbm>>) target_semaphore(%arg10 : memref<!tpu.dma_semaphore, #tpu.memory_space<semaphore_mem>>)
    }
    %scan3A_135 = arith.constant 24 : i32
    %dma_wait3A_136 = arith.constant 0 : i32
    %dma_wait3A_137 = arith.constant 0 : i32
    %dma_wait3A_138 = arith.constant 0 : i32
    %dma_wait3A_139 = tpu.memref_slice %arg7[%dma_wait3A_136, %dma_wait3A_137, %dma_wait3A_138] : memref<4x128x64xf32, #tpu.memory_space<vmem>> -> memref<1x128x64xf32, #tpu.memory_space<vmem>>
    %dma_wait3A_140 = tpu.memref_squeeze %dma_wait3A_139 : memref<1x128x64xf32, #tpu.memory_space<vmem>> -> memref<128x64xf32, #tpu.memory_space<vmem>>
    %dma_wait3A_141 = arith.constant 25088 : i32
    %dma_wait3A_142 = tpu.memref_slice %arg5[%dma_wait3A_141] : memref<25600xi32, #tpu.memory_space<vmem>> -> memref<128xi32, #tpu.memory_space<vmem>>
    %dma_wait3A_143 = arith.constant 0 : i32
    %dma_wait3A_144 = arith.constant 0 : i32
    %dma_wait3A_145 = tpu.memref_slice %arg3[%dma_wait3A_143, %dma_wait3A_144] : memref<1000000x64xf32, #tpu.memory_space<hbm>> -> memref<1000000x64xf32, #tpu.memory_space<hbm>>
    tpu.wait_indirect_dma semaphore(%arg9 : memref<!tpu.dma_semaphore, #tpu.memory_space<semaphore_mem>>) src(%dma_wait3A_145 : memref<1000000x64xf32, #tpu.memory_space<hbm>>) dst(%dma_wait3A_140 : memref<128x64xf32, #tpu.memory_space<vmem>>)
    %dma_wait3A_146 = arith.constant 1 : i32
    %dma_wait3A_147 = arith.constant 0 : i32
    %dma_wait3A_148 = arith.constant 0 : i32
    %dma_wait3A_149 = tpu.memref_slice %arg7[%dma_wait3A_146, %dma_wait3A_147, %dma_wait3A_148] : memref<4x128x64xf32, #tpu.memory_space<vmem>> -> memref<1x128x64xf32, #tpu.memory_space<vmem>>
    %dma_wait3A_150 = tpu.memref_squeeze %dma_wait3A_149 : memref<1x128x64xf32, #tpu.memory_space<vmem>> -> memref<128x64xf32, #tpu.memory_space<vmem>>
    %dma_wait3A_151 = arith.constant 25216 : i32
    %dma_wait3A_152 = tpu.memref_slice %arg5[%dma_wait3A_151] : memref<25600xi32, #tpu.memory_space<vmem>> -> memref<128xi32, #tpu.memory_space<vmem>>
    %dma_wait3A_153 = arith.constant 0 : i32
    %dma_wait3A_154 = arith.constant 0 : i32
    %dma_wait3A_155 = tpu.memref_slice %arg3[%dma_wait3A_153, %dma_wait3A_154] : memref<1000000x64xf32, #tpu.memory_space<hbm>> -> memref<1000000x64xf32, #tpu.memory_space<hbm>>
    tpu.wait_indirect_dma semaphore(%arg9 : memref<!tpu.dma_semaphore, #tpu.memory_space<semaphore_mem>>) src(%dma_wait3A_155 : memref<1000000x64xf32, #tpu.memory_space<hbm>>) dst(%dma_wait3A_150 : memref<128x64xf32, #tpu.memory_space<vmem>>)
    %dma_wait3A_156 = arith.constant 2 : i32
    %dma_wait3A_157 = arith.constant 0 : i32
    %dma_wait3A_158 = arith.constant 0 : i32
    %dma_wait3A_159 = tpu.memref_slice %arg7[%dma_wait3A_156, %dma_wait3A_157, %dma_wait3A_158] : memref<4x128x64xf32, #tpu.memory_space<vmem>> -> memref<1x128x64xf32, #tpu.memory_space<vmem>>
    %dma_wait3A_160 = tpu.memref_squeeze %dma_wait3A_159 : memref<1x128x64xf32, #tpu.memory_space<vmem>> -> memref<128x64xf32, #tpu.memory_space<vmem>>
    %dma_wait3A_161 = arith.constant 25344 : i32
    %dma_wait3A_162 = tpu.memref_slice %arg5[%dma_wait3A_161] : memref<25600xi32, #tpu.memory_space<vmem>> -> memref<128xi32, #tpu.memory_space<vmem>>
    %dma_wait3A_163 = arith.constant 0 : i32
    %dma_wait3A_164 = arith.constant 0 : i32
    %dma_wait3A_165 = tpu.memref_slice %arg3[%dma_wait3A_163, %dma_wait3A_164] : memref<1000000x64xf32, #tpu.memory_space<hbm>> -> memref<1000000x64xf32, #tpu.memory_space<hbm>>
    tpu.wait_indirect_dma semaphore(%arg9 : memref<!tpu.dma_semaphore, #tpu.memory_space<semaphore_mem>>) src(%dma_wait3A_165 : memref<1000000x64xf32, #tpu.memory_space<hbm>>) dst(%dma_wait3A_160 : memref<128x64xf32, #tpu.memory_space<vmem>>)
    %dma_wait3A_166 = arith.constant 3 : i32
    %dma_wait3A_167 = arith.constant 0 : i32
    %dma_wait3A_168 = arith.constant 0 : i32
    %dma_wait3A_169 = tpu.memref_slice %arg7[%dma_wait3A_166, %dma_wait3A_167, %dma_wait3A_168] : memref<4x128x64xf32, #tpu.memory_space<vmem>> -> memref<1x128x64xf32, #tpu.memory_space<vmem>>
    %dma_wait3A_170 = tpu.memref_squeeze %dma_wait3A_169 : memref<1x128x64xf32, #tpu.memory_space<vmem>> -> memref<128x64xf32, #tpu.memory_space<vmem>>
    %dma_wait3A_171 = arith.constant 25472 : i32
    %dma_wait3A_172 = tpu.memref_slice %arg5[%dma_wait3A_171] : memref<25600xi32, #tpu.memory_space<vmem>> -> memref<128xi32, #tpu.memory_space<vmem>>
    %dma_wait3A_173 = arith.constant 0 : i32
    %dma_wait3A_174 = arith.constant 0 : i32
    %dma_wait3A_175 = tpu.memref_slice %arg3[%dma_wait3A_173, %dma_wait3A_174] : memref<1000000x64xf32, #tpu.memory_space<hbm>> -> memref<1000000x64xf32, #tpu.memory_space<hbm>>
    tpu.wait_indirect_dma semaphore(%arg9 : memref<!tpu.dma_semaphore, #tpu.memory_space<semaphore_mem>>) src(%dma_wait3A_175 : memref<1000000x64xf32, #tpu.memory_space<hbm>>) dst(%dma_wait3A_170 : memref<128x64xf32, #tpu.memory_space<vmem>>)
    %add3A_176 = arith.constant 196 : i32
    %add3A_177 = arith.addi %mul3A_2, %add3A_176 : i32
    %dma_start3A_178 = arith.constant 0 : i32
    %dma_start3A_179 = arith.constant 0 : i32
    %dma_start3A_180 = tpu.memref_slice %arg4[%add3A_177, %dma_start3A_178, %dma_start3A_179] : memref<6400x128x128xf32, #tpu.memory_space<hbm>> -> memref<4x128x64xf32, #tpu.memory_space<hbm>>
    %dma_start3A_181 = arith.constant 0 : i32
    %dma_start3A_182 = arith.constant 0 : i32
    %dma_start3A_183 = tpu.memref_slice %arg4[%add3A_177, %dma_start3A_181, %dma_start3A_182] : memref<6400x128x128xf32, #tpu.memory_space<hbm>> -> memref<4x128x64xf32, #tpu.memory_space<hbm>>
    tpu.enqueue_dma source(%arg7 : memref<4x128x64xf32, #tpu.memory_space<vmem>>) target(%dma_start3A_183 : memref<4x128x64xf32, #tpu.memory_space<hbm>>) target_semaphore(%arg11 : memref<!tpu.dma_semaphore, #tpu.memory_space<semaphore_mem>>)
    %add3A_184 = arith.constant 192 : i32
    %add3A_185 = arith.addi %mul3A_2, %add3A_184 : i32
    %dma_wait3A_186 = arith.constant 0 : i32
    %dma_wait3A_187 = arith.constant 0 : i32
    %dma_wait3A_188 = tpu.memref_slice %arg4[%add3A_185, %dma_wait3A_186, %dma_wait3A_187] : memref<6400x128x128xf32, #tpu.memory_space<hbm>> -> memref<4x128x64xf32, #tpu.memory_space<hbm>>
    %dma_wait3A_189 = arith.constant 0 : i32
    %dma_wait3A_190 = arith.constant 0 : i32
    %dma_wait3A_191 = tpu.memref_slice %arg4[%add3A_185, %dma_wait3A_189, %dma_wait3A_190] : memref<6400x128x128xf32, #tpu.memory_space<hbm>> -> memref<4x128x64xf32, #tpu.memory_space<hbm>>
    tpu.wait_dma2 semaphore(%arg10 : memref<!tpu.dma_semaphore, #tpu.memory_space<semaphore_mem>>) src(%arg6 : memref<4x128x64xf32, #tpu.memory_space<vmem>>) dst(%dma_wait3A_191 : memref<4x128x64xf32, #tpu.memory_space<hbm>>)
    %add3A_192 = arith.constant 196 : i32
    %add3A_193 = arith.addi %mul3A_2, %add3A_192 : i32
    %dma_wait3A_194 = arith.constant 0 : i32
    %dma_wait3A_195 = arith.constant 0 : i32
    %dma_wait3A_196 = tpu.memref_slice %arg4[%add3A_193, %dma_wait3A_194, %dma_wait3A_195] : memref<6400x128x128xf32, #tpu.memory_space<hbm>> -> memref<4x128x64xf32, #tpu.memory_space<hbm>>
    %dma_wait3A_197 = arith.constant 0 : i32
    %dma_wait3A_198 = arith.constant 0 : i32
    %dma_wait3A_199 = tpu.memref_slice %arg4[%add3A_193, %dma_wait3A_197, %dma_wait3A_198] : memref<6400x128x128xf32, #tpu.memory_space<hbm>> -> memref<4x128x64xf32, #tpu.memory_space<hbm>>
    tpu.wait_dma2 semaphore(%arg11 : memref<!tpu.dma_semaphore, #tpu.memory_space<semaphore_mem>>) src(%arg7 : memref<4x128x64xf32, #tpu.memory_space<vmem>>) dst(%dma_wait3A_199 : memref<4x128x64xf32, #tpu.memory_space<hbm>>)
    return
  }
}

</mosaic_0001>

<sc_bundles>
// kernel: kernel.3.cloned.1.call-start
scs
__scs_entry_jumppad:
0x0: {  	(pc) =	sbr.rel $0x88, $3  }
0x1: {  	(tag) =	ssettag $0x0;
	lr =	simm.s32 $0x1  }
0x2: {  	[smem:$0x3F9F] =	sst lr;
	_ =	strace $0xD0000000  }
0x3: {  	_ = 	snop  }
0x4: {  	_ = 	snop  }
0x5: {  	_ = 	snop  }
0x6: {  	_ = 	snop  }
0x7: {  	_ = 	snop  }
__scs_overlays_trampoline_lowered:
0x8: {  	[smem:$0x3FAE] =	sst s0  }
0x9: {  	[smem:$0x3FAF] =	sst s1  }
0xa: {  	[smem:$0x3FB0] =	sst s2  }
0xb: {  	[smem:$0x3FB1] =	sst s3  }
0xc: {  	[smem:$0x3FB2] =	sst s4  }
0xd: {  	[smem:$0x3FB3] =	sst s5  }
0xe: {  	[smem:$0x3FB4] =	sst s6  }
0xf: {  	[smem:$0x3FB5] =	sst s7  }
0x10: {  	[smem:$0x3FB6] =	sst s8  }
0x11: {  	[smem:$0x3FB7] =	sst s9;
	s0 =	simm.s32 @!p0 $0x0  }
0x12: {  	s1 =	sld [smem:$0x3F9D];
	s0 =	simm.s32 @p0 $0x1  }
0x13: {  	[smem:$0x3FB8] =	sst s0;
	s0 =	simm.s32 @!p1 $0x0  }
0x14: {  	s2 =	sld [smem:$0x3F9C];
	s0 =	simm.s32 @p1 $0x1  }
0x15: {  	[smem:$0x3FB9] =	sst s0;
	s0 =	simm.s32 @!p2 $0x0  }
0x16: {  	s3 =	sld [smem:$0x3FDB];
	s0 =	simm.s32 @p2 $0x1  }
0x17: {  	s4 =	simm.s32 $0x1BF5;
	[smem:$0x3FBB] =	sst s0  }
0x18: {  	s0 =	sld [smem:$0x3F9E];
	_ =	swait.ge [sflag:s4], $0x0  }
0x19: {  	s7 =	sld [smem:$0x3F9F]  }
0x1a: {  	s8 =	sadd.s32 $0xFFFFE003, lr  }
0x1b: {  	s9 =	sadd.s32 $0xFFFFFEF7, lr;
	s5 =	simm.s32 $0xFFFFFFFF;
	p2 =	slt.u32 s8, $0xFFFFF086  }
0x1c: {  	p1 =	slt.u32 s9, $0xF7A;
	s5 =	simm.s32 @!p2 $0x0  }
0x1d: {  	s5 =	simm.s32 @p1 $0x1;
	p0 =	seq.s32 s7, s2  }
0x1e: {  	s7 =	smul.u32 @!p0 $0xF7A, s2;
	p2 =	seq.s32 @!p0 s5, $0x0  }
0x1f: {  	s9 =	smul.u32 $0xF7A, s1;
	s8 =	simm.s32 @!p0 $0x1BF5;
	p2 =	por !p2, p0  }
0x20: {  	[sflag:s8] =	ssyncset.s32 @!p0 $0xFFFFF086;
	s6 =	sadd.s32 @!p0 s3, s7;
	s7 =	simm.s32 @!p0 $0x108  }
0x21: {  	s3 =	sadd.s32 s3, s9;
	s6 =	sadd.s32 @!p0 $0x88, s6;
	s7 =	simm.s32 @p2 $0x1082  }
0x22: {  	[simem:s7], [sflag:s8] =	dma.local @!p0 [hbm:s6], $0xF7A  }
0x23: {  	s9 =	sor.u32 $0xD0000000, s2;
	s6 =	simm.s32 $0x108;
	_ =	swait.ge @!p0 [sflag:s8], $0x0  }
0x24: {  	s3 =	sadd.s32 $0x88, s3;
	s6 =	simm.s32 @!p1 $0x1082;
	[sflag:s4] =	ssyncset.s32 $0xFFFFF086  }
0x25: {  	[simem:s6], [sflag:s4] =	dma.local [hbm:s3], $0xF7A  }
0x26: {  	[smem:$0x3F9F] =	sst s1;
	(tag) =	ssettag s2;
	_ =	strace s9  }
0x27: {  	s1 =	sld [smem:$0x3FAF]  }
0x28: {  	s2 =	sld [smem:$0x3FB0]  }
0x29: {  	s4 =	sld [smem:$0x3FB2]  }
0x2a: {  	p0 =	seq.s32 s5, $0x0;
	s5 =	sld [smem:$0x3FB3]  }
0x2b: {  	s6 =	sld [smem:$0x3FB4]  }
0x2c: {  	s7 =	sld [smem:$0x3FB5]  }
0x2d: {  	s3 =	simm.s32 $0x108;
	s8 =	sld [smem:$0x3FB6]  }
0x2e: {  	s3 =	simm.s32 @!p0 $0x1082;
	s9 =	sld [smem:$0x3FB7]  }
0x2f: {  	lr =	sadd.s32 s0, s3;
	s0 =	sld [smem:$0x3FAE]  }
0x30: {  	s3 =	sld [smem:$0x3FB1]  }
0x31: {  	[smem:$0x3FBA] =	sst s10  }
0x32: {  	s10 =	sld [smem:$0x3FB8];
	_ =	sdelay $0x3  }
0x33: {  	p0 =	seq.s32 s10, $0x1;
	s10 =	sld [smem:$0x3FBA];
	_ =	sdelay $0x3  }
0x34: {  	[smem:$0x3FBA] =	sst s10  }
0x35: {  	s10 =	sld [smem:$0x3FB9];
	_ =	sdelay $0x3  }
0x36: {  	p1 =	seq.s32 s10, $0x1;
	s10 =	sld [smem:$0x3FBA];
	_ =	sdelay $0x3  }
0x37: {  	[smem:$0x3FBA] =	sst s10  }
0x38: {  	s10 =	sld [smem:$0x3FBB]  }
0x39: {  	_ = 	snop;
	(pc) =	sbr.ind lr, $3  }
0x3a: {  	_ = 	snop  }
0x3b: {  	_ = 	snop  }
0x3c: {  	p2 =	seq.s32 s10, $0x1;
	s10 =	sld [smem:$0x3FBA]  }
0x3d: {  	_ =	shalt  }
0x3e: {  	_ =	shalt  }
0x3f: {  	_ =	shalt  }
0x40: {  	_ =	shalt  }
0x41: {  	_ =	shalt  }
0x42: {  	_ =	shalt  }
0x43: {  	_ =	shalt  }
0x44: {  	_ =	shalt  }
0x45: {  	_ =	shalt  }
0x46: {  	_ =	shalt  }
0x47: {  	_ =	shalt  }
0x48: {  	_ =	shalt  }
0x49: {  	_ =	shalt  }
0x4a: {  	_ =	shalt  }
0x4b: {  	_ =	shalt  }
0x4c: {  	_ =	shalt  }
0x4d: {  	_ =	shalt  }
0x4e: {  	_ =	shalt  }
0x4f: {  	_ =	shalt  }
0x50: {  	_ =	shalt  }
0x51: {  	_ =	shalt  }
0x52: {  	_ =	shalt  }
0x53: {  	_ =	shalt  }
0x54: {  	_ =	shalt  }
0x55: {  	_ =	shalt  }
0x56: {  	_ =	shalt  }
0x57: {  	_ =	shalt  }
0x58: {  	_ =	shalt  }
0x59: {  	_ =	shalt  }
0x5a: {  	_ =	shalt  }
0x5b: {  	_ =	shalt  }
0x5c: {  	_ =	shalt  }
0x5d: {  	_ =	shalt  }
0x5e: {  	_ =	shalt  }
0x5f: {  	_ =	shalt  }
0x60: {  	_ =	shalt  }
0x61: {  	_ =	shalt  }
0x62: {  	_ =	shalt  }
0x63: {  	_ =	shalt  }
0x64: {  	_ =	shalt  }
0x65: {  	_ =	shalt  }
0x66: {  	_ =	shalt  }
0x67: {  	_ =	shalt  }
0x68: {  	_ =	shalt  }
0x69: {  	_ =	shalt  }
0x6a: {  	_ =	shalt  }
0x6b: {  	_ =	shalt  }
0x6c: {  	_ =	shalt  }
0x6d: {  	_ =	shalt  }
0x6e: {  	_ =	shalt  }
0x6f: {  	_ =	shalt  }
0x70: {  	_ =	shalt  }
0x71: {  	_ =	shalt  }
0x72: {  	_ =	shalt  }
0x73: {  	_ =	shalt  }
0x74: {  	_ =	shalt  }
0x75: {  	_ =	shalt  }
0x76: {  	_ =	shalt  }
0x77: {  	_ =	shalt  }
0x78: {  	_ =	shalt  }
0x79: {  	_ =	shalt  }
0x7a: {  	_ =	shalt  }
0x7b: {  	_ =	shalt  }
0x7c: {  	_ =	shalt  }
0x7d: {  	_ =	shalt  }
0x7e: {  	_ =	shalt  }
0x7f: {  	_ =	shalt  }
0x80: {  	_ =	shalt  }
0x81: {  	_ =	shalt  }
0x82: {  	_ =	shalt  }
0x83: {  	_ =	shalt  }
0x84: {  	_ =	shalt  }
0x85: {  	_ =	shalt  }
0x86: {  	_ =	shalt  }
0x87: {  	_ =	shalt  }
.Lfunc_end0:
.L_simem_size_0:
called_computation.1_lowered:
.L_overlay_start_0:
0x88: {  	s2 =	sld [smem:$0x3FD9]  }
0x89: {  	s3 =	sld [smem:$0x3FFE];
	_ =	sdelay $0x1  }
0x8a: {  	s1 =	srdreg.scid  }
0x8b: {  	s0 =	sand.u32 $0x1, s1  }
0x8c: {  	s17 =	sshll.u32 s0, $0xA;
	s2 =	sadd.s32 s3, s2  }
0x8d: {  	s2 =	sadd.s32 s2, s17  }
0x8e: {  	[smem:$0x3FC6] =	sst s2  }
0x8f: {  	_ = 	snop  }
0x90: {  	s2 =	sld [smem:$0x3FD0];
	(tm) =	ssettm $0x1  }
0x91: {  	s18 =	sld [smem:$0x3FFB];
	_ =	sdelay $0x3  }
0x92: {  	_ =	strace s18  }
0x93: {  	s3 =	sld [smem:$0x3FFC];
	_ =	sdelay $0x3  }
0x94: {  	_ =	strace s3  }
0x95: {  	s3 =	sld [smem:$0x3FFD];
	_ =	sdelay $0x3  }
0x96: {  	_ =	strace s3  }
0x97: {  	_ =	strace $0x8FFFFFFF  }
0x98: {  	s19 =	sld [smem:$0x3FDB];
	_ =	sdelay $0x1  }
0x99: {  	s4 =	simm.s32 $_scs_section_size  }
0x9a: {  	s5 =	simm.s32 $_size__tile_overlayer_lowered;
	s6 =	simm.s32 $_tile_overlayer_lowered  }
0x9b: {  	s22 =	simm.s32 $0x1BFF;
	s21 =	sshll.u32 s6, $0x1;
	s3 =	sadd.s32 s4, s19  }
0x9c: {  	s7 =	simm.s32 $0x0;
	s20 =	sshll.u32 s5, $0x1;
	s5 =	sadd.s32 s21, s3  }
0x9d: {  	[timem:s7], [sflag:s22] =	dma.local [hbm:s5], s20  }
0x9e: {  	_ =	swait.ge [sflag:s22], s20  }
0x9f: {  	s4 =	ssub.s32 $0x0, s20;
	[sflag:s22] =	ssyncset.done $0x0  }
0xa0: {  	[sflag:s22] =	ssyncadd.s32 s4;
	_ =	sdelay $0x1  }
0xa1: {  	s23 =	simm.s32 $0x1B8B  }
0xa2: {  	_ =	swait.ge [sflag:s23], $0x1  }
0xa3: {  	[sflag:s23] =	ssyncset.done $0x0  }
0xa4: {  	s25 =	simm.s32 $0x1B8E;
	s24 =	sld [smem:$0x3FFE];
	[sflag:s23] =	ssyncadd.s32 $0xFFFFFFFF  }
0xa5: {  	s26 =	simm.s32 $execute0_lowered;
	[smem:$0x3FD2] =	sst s25  }
0xa6: {  	s5 =	sshll.u32 s26, $0x1;
	_ =	strace $0x80000046;
	[dreg:$0x1] =	wrdreg $0xFFFFFFFF  }
0xa7: {  	s28 =	simm.s32 $_size_execute0_lowered;
	s3 =	sadd.s32 s3, s5;
	[dreg:$0x0] =	wrdreg $0x0  }
0xa8: {  	s5 =	sshll.u32 s28, $0x1;
	[dreg:$0x2] =	wrdreg s3  }
0xa9: {  	[dreg:$0x3] =	wrdreg s5  }
0xaa: {  	[dreg:$0x4] =	wrdreg $0xC0  }
0xab: {  	_ =	task [dreg:s7], $0x5FFFF  }
0xac: {  	[dreg:$0x1] =	wrdreg $0xFFFFFFFF  }
0xad: {  	[dreg:$0x0] =	wrdreg $0x60  }
0xae: {  	[dreg:$0x2] =	wrdreg s2  }
0xaf: {  	[dreg:$0x3] =	wrdreg s24  }
0xb0: {  	[dreg:$0x4] =	wrdreg $0x9  }
0xb1: {  	_ =	task.clear_ibuf [dreg:s7], $0x5FFFF;
	_ =	strace $0x90000046  }
0xb2: {  	s29 =	simm.s32 $0x9;
	_ =	strace $0x80000048  }
0xb3: {  	_ =	swait.ge [sflag:s29], $0x1  }
0xb4: {  	[sflag:s29] =	ssyncadd.s32 $0xFFFFFFFF  }
0xb5: {  	_ =	strace $0x90000048  }
0xb6: {  	_ =	sfence  }
0xb7: {  	s30 =	sld [smem:$0x0];
	_ =	sdelay $0x2  }
0xb8: {  	s31 =	sshll.u32 s1, $0xD;
	s1 =	sshrl.u32 s1, $0x2  }
0xb9: {  	s3 =	sand.u32 $0x4000, s31;
	s1 =	sadd.s32 s1, s30  }
0xba: {  	s0 =	sor.u32 s3, s0;
	s1 =	sshll.u32 s1, $0x11  }
0xbb: {  	s0 =	sor.u32 s1, s0  }
0xbc: {  	s0 =	sadd.s32 $0x8F2B, s0  }
0xbd: {  	[sflag:s0] =	ssyncadd.remote.s32 $0x1  }
0xbe: {  	_ =	sfence.sel $0xFFFF  }
0xbf: {  	[dreg:$0x0] =	wrdreg $0xFFFFFFFF;
	(pc) =	sbr.abs _section_cstart, $3  }
0xc0: {  	[dreg:$0x1] =	wrdreg $0xFFFFFFFF  }
0xc1: {  	_ =	task.clear_ibuf [dreg:s7], $0x2FFFF;
	_ =	strace $0x9FFFFFFF  }
0xc2: {  	(tm) =	ssettm $0x7FFFFFFF  }
0xc3: {  	_ =	shalt  }
tec
execute0_lowered:
.L_overlay_start_1:
0x0: {  	(tag) =	ssettag $0x1  }
0x1: {  	s0 =	srdreg.scid;
	s1 =	rddreg [dreg:$0x0]  }
0x2: {  	s12 =	stileid.u32;
	s4 =	rddreg [dreg:$0x1];
	s13 =	simm.s32 $0x6400  }
0x3: {  	s14 =	simm.s32 $0x8400;
	s16 =	simm.s32 $0xA400;
	s18 =	simm.s32 $0xC400  }
0x4: {  	s20 =	simm.s32 $0xE400;
	s22 =	simm.s32 $0x10400;
	s9 =	smul.u32 $0xC8000, s12  }
0x5: {  	s28 =	simm.s32 $0x1;
	s0 =	sand.u32 $0x1, s0;
	s24 =	smul.u32 $0x640000, s12  }
0x6: {  	s29 =	simm.s32 $0x40;
	s2 =	sshll.u32 s12, $0x1;
	s11 =	smul.u32 $0x64000, s0  }
0x7: {  	s3 =	sor.u32 s0, s2;
	s8 =	ssub.s32 $0x2, s0;
	s0 =	smul.u32 $0x320000, s0  }
0x8: {  	s30 =	simm.s32 $0x3;
	s31 =	simm.s32 $0x2;
	s5 =	smul.u32 $0xC80, s3  }
0x9: {  	s12 =	simm.s32 $0x80;
	s2 =	simm.s32 $0x0;
	s6 =	smul.u32 $0x64000, s3  }
0xa: {  	[smem:$0x7FF] =	sst s2;
	s7 =	smul.u32 $0x320000, s3;
	s3 =	sadd.s32 $0xF42E00, s4  }
0xb: {  	s4 =	sadd.s32 $0xA00, s4;
	s10 =	sshrl.u32 s8, $0x1;
	_ =	strace $0x80000047  }
0xc: {  	s8 =	ssub.s32 s8, s10;
	s26 =	sadd.s32 s9, s4;
	s0 =	sadd.s32 s0, s24  }
0xd: {  	s24 =	simm.s32 $0x12400;
	s7 =	sshrl.u32 s7, $0x3;
	s5 =	sadd.s32 s1, s5  }
0xe: {  	s6 =	sadd.s32 s4, s6;
	s8 =	smax.u32 s8, $0x1;
	s1 =	sadd.s32 s11, s26  }
0xf: {  	s10 =	sadd.s32 $0x20000, s0;
	s11 =	simm.s32 $0x5;
	s26 =	simm.s32 $0x14400  }
0x10: {  	s0 =	simm.s32 $0x0;
	s25 =	sadd.s32 s4, s7;
	s9 =	sadd.s32 $0x2000, s1  }
0x11: {  	s1 =	simm.s32 $0x4;
	s7 =	sadd.s32 $0x62000, s25;
	s25 =	simm.s32 $0x380  }
.LBB2_1:
0x12: {  	[tilespmem:s2], [sflag:$0x5] =	stream.linear.gather [hbm4b:s5+s2], $0x6400, $0x38;
	[tilespmem:$0x16400] =	vst v63  }
0x13: {  	_ =	swait.ge [sflag:s11], $0x6400  }
0x14: {  	[sflag:s11] =	ssyncset.done $0x0  }
0x15: {  	[sflag:s11] =	ssyncadd.s32 $0xFFFF9C00  }
0x16: {  	[tilespmem:s13], [sflag:$0x1] =	stream.indirect.gather [hbm4b:s3+s12], $0x40, s2, s12, $0xb8;
	[tilespmem:$0x16400] =	vst v63  }
0x17: {  	_ = 	snop  }
0x18: {  	[tilespmem:s14], [sflag:$0x1] =	stream.indirect.gather [hbm4b:s3+s12], $0x40, s12, s12, $0xb8;
	[tilespmem:$0x16400] =	vst v63  }
0x19: {  	s15 =	simm.s32 $0x100  }
0x1a: {  	[tilespmem:s16], [sflag:$0x1] =	stream.indirect.gather [hbm4b:s3+s12], $0x40, s15, s12, $0xb8;
	[tilespmem:$0x16400] =	vst v63  }
0x1b: {  	s17 =	simm.s32 $0x180  }
0x1c: {  	[tilespmem:s18], [sflag:$0x1] =	stream.indirect.gather [hbm4b:s3+s12], $0x40, s17, s12, $0xb8;
	[tilespmem:$0x16400] =	vst v63  }
0x1d: {  	s19 =	simm.s32 $0x200  }
0x1e: {  	[tilespmem:s20], [sflag:$0x2] =	stream.indirect.gather [hbm4b:s3+s12], $0x40, s19, s12, $0xb8;
	[tilespmem:$0x16400] =	vst v63  }
0x1f: {  	s21 =	simm.s32 $0x280  }
0x20: {  	[tilespmem:s22], [sflag:$0x2] =	stream.indirect.gather [hbm4b:s3+s12], $0x40, s21, s12, $0xb8;
	[tilespmem:$0x16400] =	vst v63  }
0x21: {  	s23 =	simm.s32 $0x300  }
0x22: {  	[tilespmem:s24], [sflag:$0x2] =	stream.indirect.gather [hbm4b:s3+s12], $0x40, s23, s12, $0xb8;
	[tilespmem:$0x16400] =	vst v63  }
0x23: {  	_ = 	snop  }
0x24: {  	[tilespmem:s26], [sflag:$0x2] =	stream.indirect.gather [hbm4b:s3+s12], $0x40, s25, s12, $0xb8;
	[tilespmem:$0x16400] =	vst v63  }
0x25: {  	_ =	swait.ge [sflag:s28], $0x2000  }
0x26: {  	[sflag:s28] =	ssyncset.done $0x0  }
0x27: {  	[sflag:s28] =	ssyncadd.s32 $0xFFFFE000  }
0x28: {  	_ =	swait.ge [sflag:s28], $0x2000  }
0x29: {  	[sflag:s28] =	ssyncset.done $0x0  }
0x2a: {  	[sflag:s28] =	ssyncadd.s32 $0xFFFFE000  }
0x2b: {  	_ =	swait.ge [sflag:s28], $0x2000  }
0x2c: {  	[sflag:s28] =	ssyncset.done $0x0  }
0x2d: {  	[sflag:s28] =	ssyncadd.s32 $0xFFFFE000  }
0x2e: {  	_ =	swait.ge [sflag:s28], $0x2000  }
0x2f: {  	[sflag:s28] =	ssyncset.done $0x0  }
0x30: {  	[sflag:s28] =	ssyncadd.s32 $0xFFFFE000  }
0x31: {  	[hbm4b:s6+s29] =	stream.strided.scatter [tilespmem:s13], [sflag:$0x3], $0x8000, s12, s29, $0x38;
	[tilespmem:$0x16400] =	vst v63  }
0x32: {  	_ =	swait.ge [sflag:s30], $0x8000  }
0x33: {  	[sflag:s30] =	ssyncset.done $0x0  }
0x34: {  	s17 =	simm.s32 $0x400;
	[sflag:s30] =	ssyncadd.s32 $0xFFFF8000  }
0x35: {  	[tilespmem:s13], [sflag:$0x1] =	stream.indirect.gather [hbm4b:s3+s12], $0x40, s17, s12, $0xb8;
	[tilespmem:$0x16400] =	vst v63  }
0x36: {  	s19 =	simm.s32 $0x480  }
0x37: {  	[tilespmem:s14], [sflag:$0x1] =	stream.indirect.gather [hbm4b:s3+s12], $0x40, s19, s12, $0xb8;
	[tilespmem:$0x16400] =	vst v63  }
0x38: {  	s21 =	simm.s32 $0x500  }
0x39: {  	[tilespmem:s16], [sflag:$0x1] =	stream.indirect.gather [hbm4b:s3+s12], $0x40, s21, s12, $0xb8;
	[tilespmem:$0x16400] =	vst v63  }
0x3a: {  	s23 =	simm.s32 $0x580  }
0x3b: {  	[tilespmem:s18], [sflag:$0x1] =	stream.indirect.gather [hbm4b:s3+s12], $0x40, s23, s12, $0xb8;
	[tilespmem:$0x16400] =	vst v63  }
0x3c: {  	_ =	swait.ge [sflag:s31], $0x2000  }
0x3d: {  	[sflag:s31] =	ssyncset.done $0x0  }
0x3e: {  	[sflag:s31] =	ssyncadd.s32 $0xFFFFE000  }
0x3f: {  	_ =	swait.ge [sflag:s31], $0x2000  }
0x40: {  	[sflag:s31] =	ssyncset.done $0x0  }
0x41: {  	[sflag:s31] =	ssyncadd.s32 $0xFFFFE000  }
0x42: {  	_ =	swait.ge [sflag:s31], $0x2000  }
0x43: {  	[sflag:s31] =	ssyncset.done $0x0  }
0x44: {  	[sflag:s31] =	ssyncadd.s32 $0xFFFFE000  }
0x45: {  	_ =	swait.ge [sflag:s31], $0x2000  }
0x46: {  	[sflag:s31] =	ssyncset.done $0x0  }
0x47: {  	[sflag:s31] =	ssyncadd.s32 $0xFFFFE000  }
0x48: {  	[hbm4b:s9+s29] =	stream.strided.scatter [tilespmem:s20], [sflag:$0x4], $0x8000, s12, s29, $0x38;
	[tilespmem:$0x16400] =	vst v63  }
0x49: {  	_ =	swait.ge [sflag:s1], $0x8000  }
0x4a: {  	[sflag:s1] =	ssyncset.done $0x0  }
0x4b: {  	s17 =	simm.s32 $0x600;
	[sflag:s1] =	ssyncadd.s32 $0xFFFF8000  }
0x4c: {  	[tilespmem:s20], [sflag:$0x2] =	stream.indirect.gather [hbm4b:s3+s12], $0x40, s17, s12, $0xb8;
	[tilespmem:$0x16400] =	vst v63  }
0x4d: {  	s19 =	simm.s32 $0x680  }
0x4e: {  	[tilespmem:s22], [sflag:$0x2] =	stream.indirect.gather [hbm4b:s3+s12], $0x40, s19, s12, $0xb8;
	[tilespmem:$0x16400] =	vst v63  }
0x4f: {  	s21 =	simm.s32 $0x700  }
0x50: {  	[tilespmem:s24], [sflag:$0x2] =	stream.indirect.gather [hbm4b:s3+s12], $0x40, s21, s12, $0xb8;
	[tilespmem:$0x16400] =	vst v63  }
0x51: {  	s23 =	simm.s32 $0x780  }
0x52: {  	[tilespmem:s26], [sflag:$0x2] =	stream.indirect.gather [hbm4b:s3+s12], $0x40, s23, s12, $0xb8;
	[tilespmem:$0x16400] =	vst v63  }
0x53: {  	_ =	swait.ge [sflag:s28], $0x2000  }
0x54: {  	[sflag:s28] =	ssyncset.done $0x0  }
0x55: {  	[sflag:s28] =	ssyncadd.s32 $0xFFFFE000  }
0x56: {  	_ =	swait.ge [sflag:s28], $0x2000  }
0x57: {  	[sflag:s28] =	ssyncset.done $0x0  }
0x58: {  	[sflag:s28] =	ssyncadd.s32 $0xFFFFE000  }
0x59: {  	_ =	swait.ge [sflag:s28], $0x2000  }
0x5a: {  	[sflag:s28] =	ssyncset.done $0x0  }
0x5b: {  	[sflag:s28] =	ssyncadd.s32 $0xFFFFE000  }
0x5c: {  	s15 =	simm.s32 $0x1000;
	_ =	swait.ge [sflag:s28], $0x2000  }
0x5d: {  	s17 =	sadd.s32 $0x20000, s10;
	s19 =	sshrl.u32 s10, $0x3;
	[sflag:s28] =	ssyncset.done $0x0  }
0x5e: {  	s21 =	sadd.s32 s4, s19;
	s19 =	sadd.s32 $0x4000, s9;
	[sflag:s28] =	ssyncadd.s32 $0xFFFFE000  }
.LBB2_2:
0x5f: {  	[hbm4b:s21+s29] =	stream.strided.scatter [tilespmem:s13], [sflag:$0x3], $0x8000, s12, s29, $0x38;
	[tilespmem:$0x16400] =	vst v63  }
0x60: {  	s21 =	smov.u32 s15  }
0x61: {  	p0 =	sne.s32 s15, $0x17000;
	s15 =	sadd.s32 $0x1000, s15;
	_ =	swait.ge [sflag:s30], $0x8000  }
0x62: {  	s21 =	sshra.s32 s21, $0x2;
	[sflag:s30] =	ssyncset.done $0x0  }
0x63: {  	s23 =	sadd.s32 $0x400, s21;
	[sflag:s30] =	ssyncadd.s32 $0xFFFF8000  }
0x64: {  	[tilespmem:s13], [sflag:$0x1] =	stream.indirect.gather [hbm4b:s3+s12], $0x40, s23, s12, $0xb8;
	[tilespmem:$0x16400] =	vst v63  }
0x65: {  	s23 =	sadd.s32 $0x480, s21  }
0x66: {  	[tilespmem:s14], [sflag:$0x1] =	stream.indirect.gather [hbm4b:s3+s12], $0x40, s23, s12, $0xb8;
	[tilespmem:$0x16400] =	vst v63  }
0x67: {  	s23 =	sadd.s32 $0x500, s21  }
0x68: {  	[tilespmem:s16], [sflag:$0x1] =	stream.indirect.gather [hbm4b:s3+s12], $0x40, s23, s12, $0xb8;
	[tilespmem:$0x16400] =	vst v63  }
0x69: {  	s23 =	sadd.s32 $0x580, s21  }
0x6a: {  	[tilespmem:s18], [sflag:$0x1] =	stream.indirect.gather [hbm4b:s3+s12], $0x40, s23, s12, $0xb8;
	[tilespmem:$0x16400] =	vst v63  }
0x6b: {  	_ =	swait.ge [sflag:s31], $0x2000  }
0x6c: {  	[sflag:s31] =	ssyncset.done $0x0  }
0x6d: {  	[sflag:s31] =	ssyncadd.s32 $0xFFFFE000  }
0x6e: {  	_ =	swait.ge [sflag:s31], $0x2000  }
0x6f: {  	[sflag:s31] =	ssyncset.done $0x0  }
0x70: {  	[sflag:s31] =	ssyncadd.s32 $0xFFFFE000  }
0x71: {  	_ =	swait.ge [sflag:s31], $0x2000  }
0x72: {  	[sflag:s31] =	ssyncset.done $0x0  }
0x73: {  	[sflag:s31] =	ssyncadd.s32 $0xFFFFE000  }
0x74: {  	_ =	swait.ge [sflag:s31], $0x2000  }
0x75: {  	[sflag:s31] =	ssyncset.done $0x0  }
0x76: {  	[sflag:s31] =	ssyncadd.s32 $0xFFFFE000  }
0x77: {  	[hbm4b:s19+s29] =	stream.strided.scatter [tilespmem:s20], [sflag:$0x4], $0x8000, s12, s29, $0x38;
	[tilespmem:$0x16400] =	vst v63  }
0x78: {  	_ =	swait.ge [sflag:s1], $0x8000  }
0x79: {  	[sflag:s1] =	ssyncset.done $0x0  }
0x7a: {  	s23 =	sadd.s32 $0x600, s21;
	[sflag:s1] =	ssyncadd.s32 $0xFFFF8000  }
0x7b: {  	[tilespmem:s20], [sflag:$0x2] =	stream.indirect.gather [hbm4b:s3+s12], $0x40, s23, s12, $0xb8;
	[tilespmem:$0x16400] =	vst v63  }
0x7c: {  	s23 =	sadd.s32 $0x680, s21  }
0x7d: {  	[tilespmem:s22], [sflag:$0x2] =	stream.indirect.gather [hbm4b:s3+s12], $0x40, s23, s12, $0xb8;
	[tilespmem:$0x16400] =	vst v63  }
0x7e: {  	s23 =	sadd.s32 $0x700, s21  }
0x7f: {  	[tilespmem:s24], [sflag:$0x2] =	stream.indirect.gather [hbm4b:s3+s12], $0x40, s23, s12, $0xb8;
	[tilespmem:$0x16400] =	vst v63  }
0x80: {  	s21 =	sadd.s32 $0x780, s21  }
0x81: {  	[tilespmem:s26], [sflag:$0x2] =	stream.indirect.gather [hbm4b:s3+s12], $0x40, s21, s12, $0xb8;
	[tilespmem:$0x16400] =	vst v63  }
0x82: {  	_ =	swait.ge [sflag:s28], $0x2000  }
0x83: {  	[sflag:s28] =	ssyncset.done $0x0  }
0x84: {  	[sflag:s28] =	ssyncadd.s32 $0xFFFFE000  }
0x85: {  	_ =	swait.ge [sflag:s28], $0x2000  }
0x86: {  	[sflag:s28] =	ssyncset.done $0x0  }
0x87: {  	[sflag:s28] =	ssyncadd.s32 $0xFFFFE000  }
0x88: {  	_ =	swait.ge [sflag:s28], $0x2000  }
.Ltmp0:
0x89: {  	[sflag:s28] =	ssyncset.done $0x0;
	(pc) =	sbr.rel @p0 .LBB2_2-.Ltmp0, $4  }
0x8a: {  	[sflag:s28] =	ssyncadd.s32 $0xFFFFE000  }
0x8b: {  	_ =	swait.ge [sflag:s28], $0x2000  }
0x8c: {  	s21 =	sshrl.u32 s17, $0x3;
	s17 =	sadd.s32 $0x20000, s17;
	[sflag:s28] =	ssyncset.done $0x0  }
0x8d: {  	s19 =	sadd.s32 $0x4000, s19;
	s21 =	sadd.s32 s4, s21;
	[sflag:s28] =	ssyncadd.s32 $0xFFFFE000  }
0x8e: {  	[hbm4b:s21+s29] =	stream.strided.scatter [tilespmem:s13], [sflag:$0x3], $0x8000, s12, s29, $0x38;
	[tilespmem:$0x16400] =	vst v63  }
0x8f: {  	_ =	swait.ge [sflag:s31], $0x2000  }
0x90: {  	[sflag:s31] =	ssyncset.done $0x0  }
0x91: {  	[sflag:s31] =	ssyncadd.s32 $0xFFFFE000  }
0x92: {  	_ =	swait.ge [sflag:s31], $0x2000  }
0x93: {  	[sflag:s31] =	ssyncset.done $0x0  }
0x94: {  	[sflag:s31] =	ssyncadd.s32 $0xFFFFE000  }
0x95: {  	_ =	swait.ge [sflag:s31], $0x2000  }
0x96: {  	[sflag:s31] =	ssyncset.done $0x0  }
0x97: {  	[sflag:s31] =	ssyncadd.s32 $0xFFFFE000  }
0x98: {  	_ =	swait.ge [sflag:s31], $0x2000  }
0x99: {  	[sflag:s31] =	ssyncset.done $0x0  }
0x9a: {  	s0 =	sadd.s32 $0x1, s0;
	[sflag:s31] =	ssyncadd.s32 $0xFFFFE000  }
0x9b: {  	[hbm4b:s7+s29] =	stream.strided.scatter [tilespmem:s20], [sflag:$0x4], $0x8000, s12, s29, $0x38;
	[tilespmem:$0x16400] =	vst v63  }
0x9c: {  	p0 =	sne.s32 s0, s8;
	_ =	swait.ge [sflag:s30], $0x8000  }
.Ltmp1:
0x9d: {  	[sflag:s30] =	ssyncset.done $0x0;
	(pc) =	sbr.rel @p0 .LBB2_1-.Ltmp1, $4  }
0x9e: {  	[sflag:s30] =	ssyncadd.s32 $0xFFFF8000  }
0x9f: {  	_ =	swait.ge [sflag:s1], $0x8000  }
0xa0: {  	[sflag:s1] =	ssyncset.done $0x0  }
0xa1: {  	[sflag:s1] =	ssyncadd.s32 $0xFFFF8000  }
0xa2: {  	_ =	sfence.sel $0x180000  }
0xa3: {  	[bflag:$0x0] =	sbarrier.arrive $0xFFFF  }
0xa4: {  	_ =	strace $0x90000047  }
0xa5: {  	s0 =	stileid.u32;
	[bflag:$0x2] =	sbarrier.arrive $0xFFFF  }
0xa6: {  	p0 =	sne.s32 s0, $0x0;
	s0 =	rddreg [dreg:$0x2]  }
0xa7: {  	s0 =	sadd.s32 @!p0 $0x100000, s0  }
0xa8: {  	[sflag:s0] =	ssyncadd.tile.s32 @!p0 $0x1;
	_ =	shalt  }
.Lfunc_end2:
_tile_overlayer_lowered:
.L_overlay_start_2:
0xa9: {  	(tag) =	ssettag $0x2  }
0xaa: {  	s0 =	rddreg [dreg:$0x0];
	s2 =	stileid.u32  }
0xab: {  	s1 =	rddreg [dreg:$0x1];
	p0 =	sne.s32 s2, $0x0  }
0xac: {  	s3 =	rddreg [dreg:$0x2];
	[bflag:$0x3] =	sbarrier.arrive $0xFFFF;
	s2 =	simm.s32 @!p0 $0x1C05  }
0xad: {  	[timem:s3], [sflag:s2] =	dma.local @!p0 [hbm:s0], s1  }
0xae: {  	s0 =	simm.s32 @!p0 $0x5  }
0xaf: {  	_ =	swait.ge @!p0 [sflag:s0], s1  }
0xb0: {  	s1 =	ssub.s32 @!p0 $0x0, s1;
	[sflag:s0] =	ssyncset.done @!p0 $0x0  }
0xb1: {  	[sflag:s0] =	ssyncadd.s32 @!p0 s1  }
0xb2: {  	[bflag:$0x3] =	sbarrier.arrive $0xFFFF  }
0xb3: {  	_ =	shalt  }

// kernel: sparse-core-data-format-call.cloned.1.call-start
scs
called_computation_lowered:
.L_overlay_start_0:
0x0: {  	s2 =	sld [smem:$0x3FD9]  }
0x1: {  	s3 =	sld [smem:$0x3FFE];
	_ =	sdelay $0x1  }
0x2: {  	s1 =	srdreg.scid  }
0x3: {  	s0 =	sand.u32 $0x1, s1  }
0x4: {  	s18 =	sshll.u32 s0, $0xA;
	s2 =	sadd.s32 s3, s2  }
0x5: {  	s2 =	sadd.s32 s2, s18  }
0x6: {  	[smem:$0x3FC6] =	sst s2  }
0x7: {  	_ = 	snop  }
0x8: {  	s2 =	sld [smem:$0x3FD0];
	(tm) =	ssettm $0x1  }
0x9: {  	s19 =	sld [smem:$0x3FFB];
	_ =	sdelay $0x3  }
0xa: {  	_ =	strace s19  }
0xb: {  	s3 =	sld [smem:$0x3FFC];
	_ =	sdelay $0x3  }
0xc: {  	_ =	strace s3  }
0xd: {  	s3 =	sld [smem:$0x3FFD];
	_ =	sdelay $0x3  }
0xe: {  	_ =	strace s3  }
0xf: {  	_ =	strace $0x8FFFFFFF  }
0x10: {  	s20 =	sld [smem:$0x3FDB];
	_ =	sdelay $0x1  }
0x11: {  	s4 =	simm.s32 $_scs_section_size  }
0x12: {  	s5 =	simm.s32 $_size__tile_overlayer_lowered;
	s6 =	simm.s32 $_tile_overlayer_lowered  }
0x13: {  	s23 =	simm.s32 $0x1BFF;
	s22 =	sshll.u32 s6, $0x1;
	s3 =	sadd.s32 s4, s20  }
0x14: {  	s7 =	simm.s32 $0x0;
	s21 =	sshll.u32 s5, $0x1;
	s5 =	sadd.s32 s22, s3  }
0x15: {  	[timem:s7], [sflag:s23] =	dma.local [hbm:s5], s21  }
0x16: {  	_ =	swait.ge [sflag:s23], s21  }
0x17: {  	s4 =	ssub.s32 $0x0, s21;
	[sflag:s23] =	ssyncset.done $0x0  }
0x18: {  	[sflag:s23] =	ssyncadd.s32 s4;
	_ =	sdelay $0x1  }
0x19: {  	s24 =	simm.s32 $0x1B8B  }
0x1a: {  	_ =	swait.ge [sflag:s24], $0x1  }
0x1b: {  	[sflag:s24] =	ssyncset.done $0x0  }
0x1c: {  	s26 =	simm.s32 $0x1B8E;
	s25 =	sld [smem:$0x3FFE];
	[sflag:s24] =	ssyncadd.s32 $0xFFFFFFFF  }
0x1d: {  	s27 =	simm.s32 $execute0_lowered;
	[smem:$0x3FD2] =	sst s26  }
0x1e: {  	s5 =	sshll.u32 s27, $0x1;
	_ =	strace $0x80000049;
	[dreg:$0x1] =	wrdreg $0xFFFFFFFF  }
0x1f: {  	s28 =	simm.s32 $_size_execute0_lowered;
	s3 =	sadd.s32 s3, s5;
	[dreg:$0x0] =	wrdreg $0x0  }
0x20: {  	s5 =	sshll.u32 s28, $0x1;
	[dreg:$0x2] =	wrdreg s3  }
0x21: {  	[dreg:$0x3] =	wrdreg s5  }
0x22: {  	[dreg:$0x4] =	wrdreg $0xC0  }
0x23: {  	_ =	task [dreg:s7], $0x5FFFF  }
0x24: {  	[dreg:$0x1] =	wrdreg $0xFFFFFFFF  }
0x25: {  	[dreg:$0x0] =	wrdreg $0x60  }
0x26: {  	[dreg:$0x2] =	wrdreg s25  }
0x27: {  	[dreg:$0x3] =	wrdreg s2  }
0x28: {  	[dreg:$0x4] =	wrdreg $0x9  }
0x29: {  	_ =	task.clear_ibuf [dreg:s7], $0x5FFFF;
	_ =	strace $0x90000049  }
0x2a: {  	s29 =	simm.s32 $0x9;
	_ =	strace $0x8000004B  }
0x2b: {  	_ =	swait.ge [sflag:s29], $0x1  }
0x2c: {  	[sflag:s29] =	ssyncadd.s32 $0xFFFFFFFF  }
0x2d: {  	_ =	strace $0x9000004B  }
0x2e: {  	_ =	sfence  }
0x2f: {  	s30 =	sld [smem:$0x0];
	_ =	sdelay $0x2  }
0x30: {  	s31 =	sshll.u32 s1, $0xD;
	s1 =	sshrl.u32 s1, $0x2  }
0x31: {  	s3 =	sand.u32 $0x4000, s31;
	s1 =	sadd.s32 s1, s30  }
0x32: {  	s0 =	sor.u32 s3, s0;
	s1 =	sshll.u32 s1, $0x11  }
0x33: {  	s0 =	sor.u32 s1, s0  }
0x34: {  	s0 =	sadd.s32 $0x8F2B, s0  }
0x35: {  	[sflag:s0] =	ssyncadd.remote.s32 $0x1  }
0x36: {  	_ =	sfence.sel $0xFFFF  }
0x37: {  	[dreg:$0x0] =	wrdreg $0xFFFFFFFF;
	(pc) =	sbr.abs _section_cstart, $3  }
0x38: {  	[dreg:$0x1] =	wrdreg $0xFFFFFFFF  }
0x39: {  	_ =	task.clear_ibuf [dreg:s7], $0x2FFFF;
	_ =	strace $0x9FFFFFFF  }
0x3a: {  	(tm) =	ssettm $0x7FFFFFFF  }
0x3b: {  	_ =	shalt  }
tec
execute0_lowered:
.L_overlay_start_1:
0x0: {  	(tag) =	ssettag $0x1  }
0x1: {  	s0 =	srdreg.scid  }
0x2: {  	s1 =	sshll.u32 s0, $0x4  }
0x3: {  	s0 =	stileid.u32;
	s1 =	sand.u32 $0x10, s1  }
0x4: {  	s1 =	sor.u32 s0, s1  }
0x5: {  	s6 =	rddreg [dreg:$0x0];
	s4 =	simm.s32 $0x1;
	s2 =	sshll.u32 s1, $0x7  }
0x6: {  	s7 =	simm.s32 $0x2;
	s12 =	simm.s32 $0x0;
	s1 =	ssub.s32 $0x1000, s2  }
0x7: {  	s8 =	simm.s32 $0x8000;
	s13 =	simm.s32 $0x0;
	s3 =	sand.u32 $0xF80, s1  }
0x8: {  	s9 =	simm.s32 $0x0;
	s5 =	sshrl.u32 s1, $0xC;
	p0 =	sne.s32 s3, $0x0  }
.Ltmp0:
0x9: {  	s1 =	rddreg [dreg:$0x2];
	s4 =	simm.s32 @!p0 $0x0;
	(pc) =	sbr.rel .LBB1_1-.Ltmp0, $4  }
0xa: {  	s11 =	simm.s32 $0x0;
	s3 =	rddreg [dreg:$0x1];
	s5 =	sadd.s32 s4, s5  }
0xb: {  	_ =	strace $0x8000004A;
	s4 =	simm.s32 $0x1;
	s5 =	smul.u32 $0xC8, s5  }
0xc: {  	s6 =	sadd.s32 $0xA00, s6;
	s10 =	smov.u32 s2;
	[sflag:s4] =	ssyncpa.u1 $0x0  }
0xd: {  	p0 =	por $0x0, $0x0;
	[sflag:s7] =	ssyncpa.u1 $0x0;
	s7 =	sor.u32 $0x1, s5  }
.LBB1_4:
0xe: {  	s16 =	sshll.u32 s13, $0x3;
	s17 =	sand.u32 $0x78, s13  }
0xf: {  	s30 =	sand.u32 $0x7E00, s13;
	s12 =	sshll.u32 s12, $0xF;
	s16 =	sand.u32 $0xC00, s16  }
0x10: {  	[tilespmem:s15+$0x810 ss:$0x81] =	vst.msk $0xffff, v2;
	s31 =	sand.u32 $0x7, s13;
	s16 =	sor.u32 s17, s16;
	s17 =	sadd.s32 s3, s30  }
0x11: {  	[tilespmem:s15+$0x1020 ss:$0x81] =	vst.msk $0xffff, v0;
	s13 =	sshll.u32 s31, $0x12;
	s12 =	sadd.s32 s12, s17;
	s16 =	sshrl.u32 s16, $0x3  }
0x12: {  	[tilespmem:s15+$0x0 ss:$0x81] =	vst.msk $0xffff, v1;
	s13 =	sor.u32 $0x400, s13;
	s12 =	sadd.s32 s16, s12  }
0x13: {  	[hbm4b:s12+s13] =	stream.strided.scatter [tilespmem:s14], [sflag:$0x2], $0x2000, s8, s13, $0x20;
	[tilespmem:$0x8080] =	vst v63  }
.LBB1_5:
0x14: {  	s14 =	sadd.s32 $0x1, s9  }
0x15: {  	s12 =	sadd.s32 $0x1000, s10;
	s16 =	smov.u32 s10;
	p2 =	sgt.s32 s14, $0xC7  }
0x16: {  	s16 =	smov.u32 @p2 s12  }
0x17: {  	s14 =	simm.s32 @p2 $0x0;
	p2 =	sgt.s32 s16, $0xFFF  }
0x18: {  	s16 =	smov.u32 @p2 s2;
	p2 =	sne.s32 s11, s7  }
.Ltmp1:
0x19: {  	p1 =	slt.u32 s11, $0x2;
	(pc) =	sbr.rel @!p2 .LBB1_6-.Ltmp1, $4  }
0x1a: {  	s15 =	simm.s32 @!p1 $0x2  }
0x1b: {  	s13 =	smov.u32 s10;
	p0 =	por !p0, !p0;
	_ =	swait.ge @!p1 [sflag:s15], $0x2000  }
0x1c: {  	s12 =	smov.u32 s9;
	[sflag:s15] =	ssyncset.done @!p1 $0x0;
	s9 =	smov.u32 s14  }
0x1d: {  	s11 =	sadd.s32 $0x1, s11;
	[sflag:s15] =	ssyncadd.s32 @!p1 $0xFFFFE000;
	s10 =	smov.u32 s16  }
.LBB1_1:
0x1e: {  	p1 =	sge.u32 s11, s5  }
0x1f: {  	s14 =	sand.u32 @!p1 $0x1FFFFFF, s9  }
0x20: {  	s15 =	smulhi.u32 @!p1 $0x147AE15, s14;
	_ =	sdelay $0x1  }
0x21: {  	s15 =	smul.u32 @!p1 $0xC8, s15  }
0x22: {  	s16 =	sxor.u32 @!p1 $0xFFFFFFFF, s11;
	s17 =	smul.u32 @!p1 $0xC80, s10  }
0x23: {  	s31 =	sadd.s32 $0xFFFFFFFF, s11;
	s16 =	sshll.u32 @!p1 s16, $0xD;
	s14 =	ssub.s32 @!p1 s14, s15  }
0x24: {  	s15 =	sand.u32 @!p1 $0x2000, s16;
	s16 =	sadd.s32 @!p1 s6, s17;
	s14 =	sshll.u32 @!p1 s14, $0x4  }
0x25: {  	s17 =	simm.s32 @!p1 $0x6400;
	s14 =	sadd.s32 @!p1 s14, s16;
	s16 =	simm.s32 @!p1 $0x40  }
0x26: {  	[tilespmem:s15], [sflag:$0x1] =	stream.strided.gather @!p1 [hbm4b:s14+s16], $0x2000, s17, s16, $0x38;
	[tilespmem:$0x8080] =	vst v63  }
0x27: {  	p1 =	sge.u32 s31, s5  }
.Ltmp2:
0x28: {  	_ = 	snop;
	(pc) =	sbr.rel @p1 .LBB1_5-.Ltmp2, $1  }
0x29: {  	_ =	sdelay $0x3  }
0x2a: {  	s14 =	simm.s32 $0x1  }
0x2b: {  	_ =	swait.ge [sflag:s4], $0x2000;
	s14 =	simm.s32 @!p0 $0x0  }
0x2c: {  	[sflag:s4] =	ssyncset.done $0x0;
	s15 =	sshll.u32 s14, $0xD  }
0x2d: {  	[sflag:s4] =	ssyncadd.s32 $0xFFFFE000;
	s18 =	sor.u32 $0x20, s15  }
0x2e: {  	s14 =	smul.u32 $0x8100, s14;
	v3 =	vld [tilespmem:s18+$0x10]  }
0x2f: {  	s30 =	sand.u32 $0x1, s11;
	v2 =	vld [tilespmem:s18+$0xFFFFFFF0]  }
0x30: {  	s15 =	smul.u32 $0x8100, s30;
	s14 =	sshrl.u32 s14, $0x2;
	v0 =	vld [tilespmem:s18+$0x0]  }
0x31: {  	v1 =	vld [tilespmem:s18+$0xFFFFFFE0];
	s16 =	sor.u32 $0x4000, s14  }
0x32: {  	s31 =	sshrl.u32 s15, $0x2;
	s15 =	sadd.s32 $0x0, s16  }
0x33: {  	s17 =	simm.s32 $0x4;
	s18 =	sadd.s32 $0x40, s18;
	s14 =	sor.u32 $0x4000, s31;
	[tilespmem:s15+$0x1830 ss:$0x81] =	vst.msk $0xffff, v3  }
.LBB1_3:
0x34: {  	v3 =	vld [tilespmem:s18+$0x10];
	p1 =	sne.s32 s17, $0x1FC;
	[tilespmem:s15+$0x810 ss:$0x81] =	vst.msk $0xffff, v2;
	s19 =	smov.u32 s17;
	s17 =	sadd.s32 $0x4, s17  }
.Ltmp3:
0x35: {  	v2 =	vld [tilespmem:s18+$0xFFFFFFF0];
	[tilespmem:s15+$0x1020 ss:$0x81] =	vst.msk $0xffff, v0;
	(pc) =	sbr.rel @p1 .LBB1_3-.Ltmp3, $4  }
0x36: {  	v0 =	vld [tilespmem:s18+$0x0];
	[tilespmem:s15+$0x0 ss:$0x81] =	vst.msk $0xffff, v1  }
0x37: {  	s15 =	sshra.s32 s19, $0x2;
	v1 =	vld [tilespmem:s18+$0xFFFFFFE0]  }
0x38: {  	s15 =	sadd.s32 s15, s16  }
0x39: {  	s18 =	sadd.s32 $0x40, s18;
	[tilespmem:s15+$0x1830 ss:$0x81] =	vst.msk $0xffff, v3  }
.Ltmp4:
0x3a: {  	_ = 	snop;
	(pc) =	sbr.rel .LBB1_4-.Ltmp4, $1  }
0x3b: {  	_ =	sdelay $0x3  }
.LBB1_6:
0x3c: {  	_ =	sfence.sel $0x180000  }
0x3d: {  	s2 =	simm.s32 $0x1;
	[bflag:$0x0] =	sbarrier.arrive $0xFFFF  }
0x3e: {  	s31 =	simm.s32 $0x2;
	[sflag:s2] =	ssyncpa.u1 $0x1  }
0x3f: {  	[sflag:s31] =	ssyncpa.u1 $0x1  }
0x40: {  	p0 =	sne.s32 s0, $0x0;
	_ =	strace $0x9000004A  }
0x41: {  	s0 =	sadd.s32 @!p0 $0x100000, s1;
	[bflag:$0x2] =	sbarrier.arrive $0xFFFF  }
0x42: {  	[sflag:s0] =	ssyncadd.tile.s32 @!p0 $0x1;
	_ =	shalt  }
.Lfunc_end1:
_tile_overlayer_lowered:
.L_overlay_start_2:
0x43: {  	(tag) =	ssettag $0x2  }
0x44: {  	s0 =	rddreg [dreg:$0x0];
	s2 =	stileid.u32  }
0x45: {  	s1 =	rddreg [dreg:$0x1];
	p0 =	sne.s32 s2, $0x0  }
0x46: {  	s3 =	rddreg [dreg:$0x2];
	[bflag:$0x3] =	sbarrier.arrive $0xFFFF;
	s2 =	simm.s32 @!p0 $0x1C01  }
0x47: {  	[timem:s3], [sflag:s2] =	dma.local @!p0 [hbm:s0], s1  }
0x48: {  	s0 =	simm.s32 @!p0 $0x1  }
0x49: {  	_ =	swait.ge @!p0 [sflag:s0], s1  }
0x4a: {  	s1 =	ssub.s32 @!p0 $0x0, s1;
	[sflag:s0] =	ssyncset.done @!p0 $0x0  }
0x4b: {  	[sflag:s0] =	ssyncadd.s32 @!p0 s1  }
0x4c: {  	[bflag:$0x3] =	sbarrier.arrive $0xFFFF  }
0x4d: {  	_ =	shalt  }

</sc_bundles>
